<compile_context>
chip_gen: v7x
topology: tpu7x:2x2x1
jax: 0.10.2.dev20260603
libtpu: 0.0.44.dev20260713+nightly
codegen_flags: <defaults>
</compile_context>

<pallas_src>
import functools

import jax
import jax.numpy as jnp
from jax import lax
from jax.experimental import pallas as pl
from jax.experimental.pallas import tpu as pltpu
from jax.experimental.pallas import tpu_sc as plsc

N = 10000
D = 128
E = 320000

NCORE = 2
NSUB = 16
NTILE = NCORE * NSUB
CH = 64
NCHUNK = 158
EPT_PAD = NCHUNK * CH
NP = 10112
RPT = NP // NSUB
DW = 16


@functools.cache
def _get_sc_aggregate():
    mesh = plsc.VectorSubcoreMesh(core_axis_name="c", subcore_axis_name="s")

    @functools.partial(
        pl.kernel,
        out_type=(jax.ShapeDtypeStruct((NCORE, NP, D), jnp.float32),
                  jax.ShapeDtypeStruct((NCORE, NP, DW), jnp.float32)),
        mesh=mesh,
        scratch_types=[
            pltpu.VMEM((NCHUNK, CH), jnp.int32),
            pltpu.VMEM((NCHUNK, CH), jnp.int32),
            pltpu.VMEM((CH, D), jnp.float32),
            pltpu.VMEM((CH, D), jnp.float32),
            pltpu.VMEM((CH, DW), jnp.float32),
            pltpu.VMEM((CH,), jnp.int32),
            pltpu.VMEM_SHARED((NP, D), jnp.float32),
            pltpu.VMEM_SHARED((NP, DW), jnp.float32),
            pltpu.SemaphoreType.DMA,
            pltpu.SemaphoreType.DMA,
            pltpu.SemaphoreType.DMA,
        ],
        compiler_params=pltpu.CompilerParams(use_tc_tiling_on_sc=False),
    )
    def _sc_aggregate(x_hbm, src_hbm, dst_hbm, zero_hbm, zerod_hbm, ones_hbm,
                      trash_hbm, out_hbm, outd_hbm,
                      src_v, dst_v, rows0_v, rows1_v, ones_v, trash_v,
                      acc_sh, dega_sh, sem0, sem1, semd):
        c = lax.axis_index("c")
        s = lax.axis_index("s")
        w = c * NSUB + s
        pltpu.sync_copy(src_hbm.at[w], src_v)
        pltpu.sync_copy(dst_hbm.at[w], dst_v)
        pltpu.sync_copy(ones_hbm, ones_v)
        pltpu.sync_copy(trash_hbm, trash_v)
        rs = s * RPT
        pltpu.sync_copy(zero_hbm.at[pl.ds(rs, RPT)], acc_sh.at[pl.ds(rs, RPT)])
        pltpu.sync_copy(zerod_hbm.at[pl.ds(rs, RPT)],
                        dega_sh.at[pl.ds(rs, RPT)])
        plsc.subcore_barrier()

        pltpu.async_copy(x_hbm.at[src_v.at[0]], rows0_v, sem0)
        pltpu.async_copy(ones_v, dega_sh.at[trash_v], semd, add=True)
        pltpu.async_copy(ones_v, dega_sh.at[trash_v], semd, add=True)

        def body(i, carry):
            j0 = 2 * i
            j1 = j0 + 1
            pltpu.async_copy(x_hbm.at[src_v.at[j1]], rows1_v, sem1)
            pltpu.async_copy(ones_v, dega_sh.at[dst_v.at[j0]], semd, add=True)
            pltpu.make_async_copy(x_hbm.at[src_v.at[j0]], rows0_v,
                                  sem0).wait()
            pltpu.sync_copy(rows0_v, acc_sh.at[dst_v.at[j0]], add=True)
            j2 = jnp.minimum(j0 + 2, NCHUNK - 1)
            pltpu.async_copy(x_hbm.at[src_v.at[j2]], rows0_v, sem0)
            pltpu.async_copy(ones_v, dega_sh.at[dst_v.at[j1]], semd, add=True)
            pltpu.make_async_copy(ones_v, dega_sh.at[trash_v], semd).wait()
            pltpu.make_async_copy(x_hbm.at[src_v.at[j1]], rows1_v,
                                  sem1).wait()
            pltpu.sync_copy(rows1_v, acc_sh.at[dst_v.at[j1]], add=True)
            pltpu.make_async_copy(ones_v, dega_sh.at[trash_v], semd).wait()
            return carry

        lax.fori_loop(0, NCHUNK // 2, body, 0)
        pltpu.make_async_copy(x_hbm.at[src_v.at[NCHUNK - 1]], rows0_v,
                              sem0).wait()
        pltpu.make_async_copy(ones_v, dega_sh.at[trash_v], semd).wait()
        pltpu.make_async_copy(ones_v, dega_sh.at[trash_v], semd).wait()
        plsc.subcore_barrier()
        pltpu.sync_copy(acc_sh.at[pl.ds(rs, RPT)], out_hbm.at[c, pl.ds(rs, RPT)])
        pltpu.sync_copy(dega_sh.at[pl.ds(rs, RPT)],
                        outd_hbm.at[c, pl.ds(rs, RPT)])

    return _sc_aggregate


def _dense_body(x_ref, acc_ref, dega_ref, wl_ref, bl_ref, wr_ref, g_ref,
                be_ref, wg_ref, bg_ref, o_ref):
    x = x_ref[...]
    a0 = acc_ref[0]
    a1 = acc_ref[1]
    agg = a0[:N, :D] + a1[:N, :D]
    degp = dega_ref[0, :N, :] + dega_ref[1, :N, :]
    deg = jnp.sum(degp, axis=1, keepdims=True)
    mean_agg = agg / jnp.maximum(deg, 1.0)
    dn = (((1,), (1,)), ((), ()))
    h = (lax.dot_general(mean_agg, wl_ref[...], dn,
                         preferred_element_type=jnp.float32)
         + bl_ref[...]
         + lax.dot_general(x, wr_ref[...], dn,
                           preferred_element_type=jnp.float32))
    mu = jnp.mean(h, axis=0, keepdims=True)
    var = jnp.mean((h - mu) ** 2, axis=0, keepdims=True)
    hn = (h - mu) * lax.rsqrt(var + 1e-5) * g_ref[...] + be_ref[...]
    hg = 0.5 * hn * (1.0 + lax.erf(hn * 0.7071067811865476))
    wg = wg_ref[...]
    logit = (lax.dot_general(x, wg[:, :D], dn,
                             preferred_element_type=jnp.float32)
             + lax.dot_general(hg, wg[:, D:], dn,
                               preferred_element_type=jnp.float32)
             + bg_ref[...])
    gate = jax.nn.sigmoid(logit)
    o_ref[...] = gate * x + (1.0 - gate) * hg


_dense = pl.pallas_call(
    _dense_body,
    out_shape=jax.ShapeDtypeStruct((N, D), jnp.float32),
)


def kernel(x, edge_index, W_l, b_l, W_r, gamma, beta, W_gate, b_gate):
    src = edge_index[0].astype(jnp.int32)
    dst = edge_index[1].astype(jnp.int32)
    pad = EPT_PAD * NTILE - E
    src_t = jnp.concatenate([src, jnp.zeros((pad,), jnp.int32)]
                            ).reshape(NTILE, NCHUNK, CH)
    dst_t = jnp.concatenate([dst, jnp.full((pad,), N, jnp.int32)]
                            ).reshape(NTILE, NCHUNK, CH)
    zeros = jnp.zeros((NP, D), jnp.float32)
    zerod = jnp.zeros((NP, DW), jnp.float32)
    ones = jnp.zeros((CH, DW), jnp.float32).at[:, 0].set(1.0)
    trash = jnp.full((CH,), N, jnp.int32)
    acc, degs = _get_sc_aggregate()(x, src_t, dst_t, zeros, zerod, ones,
                                    trash)
    return _dense(x, acc, degs, W_l, b_l.reshape(1, D), W_r,
                  gamma.reshape(1, D), beta.reshape(1, D), W_gate,
                  b_gate.reshape(1, D))

# --- scband reference (transcript-rebuilt; emitter-appended) ---
"""Pipeline reference for scband-gated-block-85555748536464 (READ-ONLY COPY).

The authoritative reference and input builder live on the scoring server;
editing this copy changes nothing except your own understanding.
"""

import jax, jax.numpy as jnp
import numpy as np

N, D, E = 10000, 128, 320000

def setup_inputs(seed: int = 0) -> dict:
    key = jax.random.key(seed)
    ks = jax.random.split(key, 10)
    x = jax.random.normal(ks[0], (N, D), dtype=jnp.float32)
    edge_index = jax.random.randint(ks[1], (2, E), 0, N).astype(jnp.int64)
    s = 1.0 / np.sqrt(D)
    W_l = jax.random.normal(ks[2], (D, D), dtype=jnp.float32) * s
    b_l = jnp.zeros((D,), dtype=jnp.float32)
    W_r = jax.random.normal(ks[3], (D, D), dtype=jnp.float32) * s
    gamma = jnp.ones((D,), dtype=jnp.float32)
    beta = jnp.zeros((D,), dtype=jnp.float32)
    W_gate = jax.random.normal(ks[4], (D, 2 * D), dtype=jnp.float32) * (1.0 / np.sqrt(2 * D))
    b_gate = jnp.zeros((D,), dtype=jnp.float32)
    return {"x": x, "edge_index": edge_index, "W_l": W_l, "b_l": b_l, "W_r": W_r,
            "gamma": gamma, "beta": beta, "W_gate": W_gate, "b_gate": b_gate}

def reference(x, edge_index, W_l, b_l, W_r, gamma, beta, W_gate, b_gate):
    src = edge_index[0]
    dst = edge_index[1]
    n = x.shape[0]
    # SAGEConv with mean aggregation: gather messages from src, mean-scatter to dst
    msg = jnp.take(x, src, axis=0)
    agg = jax.ops.segment_sum(msg, dst, num_segments=n)
    deg = jax.ops.segment_sum(jnp.ones((src.shape[0],), dtype=x.dtype), dst, num_segments=n)
    mean_agg = agg / jnp.clip(deg, 1.0, None)[:, None]
    h = mean_agg @ W_l.T + b_l + x @ W_r.T
    # BatchNorm over nodes (batch statistics, training-mode math)
    mu = jnp.mean(h, axis=0)
    var = jnp.var(h, axis=0)
    h = (h - mu) / jnp.sqrt(var + 1e-5) * gamma + beta
    # GELU (exact erf, matching torch default)
    h = jax.nn.gelu(h, approximate=False)
    # dropout: identity in eval mode
    gate = jax.nn.sigmoid(jnp.concatenate([x, h], axis=1) @ W_gate.T + b_gate)
    out = gate * x + (1.0 - gate) * h
    return out

if __name__ == "__main__":
    import jax
    _d = setup_inputs()
    print(jax.jit(kernel)(*tuple(_d.values())))

</pallas_src>

<mosaic_0001>
#map = affine_map<(d0, d1) -> (0, 0)>
#map1 = affine_map<(d0, d1) -> (0, 0, 0)>
#map2 = affine_map<(d0, d1) -> (0)>
module attributes {stable_mosaic.version = 14 : i64} {
  func.func @_sc_aggregate(%arg0: i32, %arg1: i32, %arg2: memref<10000x128xf32, #tpu.memory_space<hbm>>, %arg3: memref<32x158x64xi32, #tpu.memory_space<hbm>>, %arg4: memref<32x158x64xi32, #tpu.memory_space<hbm>>, %arg5: memref<10112x128xf32, #tpu.memory_space<hbm>>, %arg6: memref<10112x16xf32, #tpu.memory_space<hbm>>, %arg7: memref<64x16xf32, #tpu.memory_space<hbm>>, %arg8: memref<64xi32, #tpu.memory_space<hbm>>, %arg9: memref<2x10112x128xf32, #tpu.memory_space<hbm>>, %arg10: memref<2x10112x16xf32, #tpu.memory_space<hbm>>, %arg11: memref<158x64xi32, #tpu.memory_space<vmem>>, %arg12: memref<158x64xi32, #tpu.memory_space<vmem>>, %arg13: memref<64x128xf32, #tpu.memory_space<vmem>>, %arg14: memref<64x128xf32, #tpu.memory_space<vmem>>, %arg15: memref<64x16xf32, #tpu.memory_space<vmem>>, %arg16: memref<64xi32, #tpu.memory_space<vmem>>, %arg17: memref<10112x128xf32, #tpu.memory_space<vmem_shared>>, %arg18: memref<10112x16xf32, #tpu.memory_space<vmem_shared>>, %arg19: memref<!tpu.dma_semaphore, #tpu.memory_space<semaphore_mem>>, %arg20: memref<!tpu.dma_semaphore, #tpu.memory_space<semaphore_mem>>, %arg21: memref<!tpu.dma_semaphore, #tpu.memory_space<semaphore_mem>>) attributes {dimension_semantics = [#tpu.dimension_semantics<core_parallel>, #tpu.dimension_semantics<subcore_parallel>], iteration_bounds = array<i64: 2, 16>, scalar_prefetch = 0 : i64, scratch_operands = 11 : i64, tpu.core_type = #tpu.core_type<sc_vector_subcore>, window_params = [{transform_indices = #map}, {transform_indices = #map1}, {transform_indices = #map1}, {transform_indices = #map}, {transform_indices = #map}, {transform_indices = #map}, {transform_indices = #map2}, {transform_indices = #map1}, {transform_indices = #map1}]} {
    %mul3A = arith.constant 16 : i32
    %mul3A_0 = arith.muli %arg0, %mul3A : i32
    %add3A = arith.addi %mul3A_0, %arg1 : i32
    "tpu.region"() ({
      %run_scoped3A = tpu.sem_alloc : memref<!tpu.dma_semaphore, #tpu.memory_space<semaphore_mem>>
      %dma_start3A_33 = arith.constant 0 : i32
      %dma_start3A_34 = arith.constant 0 : i32
      %dma_start3A_35 = tpu.memref_slice %arg3[%add3A, %dma_start3A_33, %dma_start3A_34] : memref<32x158x64xi32, #tpu.memory_space<hbm>> -> memref<1x158x64xi32, #tpu.memory_space<hbm>>
      %dma_start3A_36 = tpu.memref_squeeze %dma_start3A_35 : memref<1x158x64xi32, #tpu.memory_space<hbm>> -> memref<158x64xi32, #tpu.memory_space<hbm>>
      %dma_start3A_37 = arith.constant 0 : i32
      %dma_start3A_38 = arith.constant 0 : i32
      %dma_start3A_39 = tpu.memref_slice %arg3[%add3A, %dma_start3A_37, %dma_start3A_38] : memref<32x158x64xi32, #tpu.memory_space<hbm>> -> memref<1x158x64xi32, #tpu.memory_space<hbm>>
      %dma_start3A_40 = tpu.memref_squeeze %dma_start3A_39 : memref<1x158x64xi32, #tpu.memory_space<hbm>> -> memref<158x64xi32, #tpu.memory_space<hbm>>
      tpu.enqueue_dma source(%dma_start3A_40 : memref<158x64xi32, #tpu.memory_space<hbm>>) target(%arg11 : memref<158x64xi32, #tpu.memory_space<vmem>>) target_semaphore(%run_scoped3A : memref<!tpu.dma_semaphore, #tpu.memory_space<semaphore_mem>>)
      %dma_wait3A_41 = arith.constant 0 : i32
      %dma_wait3A_42 = arith.constant 0 : i32
      %dma_wait3A_43 = tpu.memref_slice %arg3[%add3A, %dma_wait3A_41, %dma_wait3A_42] : memref<32x158x64xi32, #tpu.memory_space<hbm>> -> memref<1x158x64xi32, #tpu.memory_space<hbm>>
      %dma_wait3A_44 = tpu.memref_squeeze %dma_wait3A_43 : memref<1x158x64xi32, #tpu.memory_space<hbm>> -> memref<158x64xi32, #tpu.memory_space<hbm>>
      %dma_wait3A_45 = arith.constant 0 : i32
      %dma_wait3A_46 = arith.constant 0 : i32
      %dma_wait3A_47 = tpu.memref_slice %arg3[%add3A, %dma_wait3A_45, %dma_wait3A_46] : memref<32x158x64xi32, #tpu.memory_space<hbm>> -> memref<1x158x64xi32, #tpu.memory_space<hbm>>
      %dma_wait3A_48 = tpu.memref_squeeze %dma_wait3A_47 : memref<1x158x64xi32, #tpu.memory_space<hbm>> -> memref<158x64xi32, #tpu.memory_space<hbm>>
      tpu.wait_dma2 semaphore(%run_scoped3A : memref<!tpu.dma_semaphore, #tpu.memory_space<semaphore_mem>>) src(%dma_wait3A_48 : memref<158x64xi32, #tpu.memory_space<hbm>>) dst(%arg11 : memref<158x64xi32, #tpu.memory_space<vmem>>)
      tpu.yield
    }) : () -> ()
    "tpu.region"() ({
      %run_scoped3A = tpu.sem_alloc : memref<!tpu.dma_semaphore, #tpu.memory_space<semaphore_mem>>
      %dma_start3A_33 = arith.constant 0 : i32
      %dma_start3A_34 = arith.constant 0 : i32
      %dma_start3A_35 = tpu.memref_slice %arg4[%add3A, %dma_start3A_33, %dma_start3A_34] : memref<32x158x64xi32, #tpu.memory_space<hbm>> -> memref<1x158x64xi32, #tpu.memory_space<hbm>>
      %dma_start3A_36 = tpu.memref_squeeze %dma_start3A_35 : memref<1x158x64xi32, #tpu.memory_space<hbm>> -> memref<158x64xi32, #tpu.memory_space<hbm>>
      %dma_start3A_37 = arith.constant 0 : i32
      %dma_start3A_38 = arith.constant 0 : i32
      %dma_start3A_39 = tpu.memref_slice %arg4[%add3A, %dma_start3A_37, %dma_start3A_38] : memref<32x158x64xi32, #tpu.memory_space<hbm>> -> memref<1x158x64xi32, #tpu.memory_space<hbm>>
      %dma_start3A_40 = tpu.memref_squeeze %dma_start3A_39 : memref<1x158x64xi32, #tpu.memory_space<hbm>> -> memref<158x64xi32, #tpu.memory_space<hbm>>
      tpu.enqueue_dma source(%dma_start3A_40 : memref<158x64xi32, #tpu.memory_space<hbm>>) target(%arg12 : memref<158x64xi32, #tpu.memory_space<vmem>>) target_semaphore(%run_scoped3A : memref<!tpu.dma_semaphore, #tpu.memory_space<semaphore_mem>>)
      %dma_wait3A_41 = arith.constant 0 : i32
      %dma_wait3A_42 = arith.constant 0 : i32
      %dma_wait3A_43 = tpu.memref_slice %arg4[%add3A, %dma_wait3A_41, %dma_wait3A_42] : memref<32x158x64xi32, #tpu.memory_space<hbm>> -> memref<1x158x64xi32, #tpu.memory_space<hbm>>
      %dma_wait3A_44 = tpu.memref_squeeze %dma_wait3A_43 : memref<1x158x64xi32, #tpu.memory_space<hbm>> -> memref<158x64xi32, #tpu.memory_space<hbm>>
      %dma_wait3A_45 = arith.constant 0 : i32
      %dma_wait3A_46 = arith.constant 0 : i32
      %dma_wait3A_47 = tpu.memref_slice %arg4[%add3A, %dma_wait3A_45, %dma_wait3A_46] : memref<32x158x64xi32, #tpu.memory_space<hbm>> -> memref<1x158x64xi32, #tpu.memory_space<hbm>>
      %dma_wait3A_48 = tpu.memref_squeeze %dma_wait3A_47 : memref<1x158x64xi32, #tpu.memory_space<hbm>> -> memref<158x64xi32, #tpu.memory_space<hbm>>
      tpu.wait_dma2 semaphore(%run_scoped3A : memref<!tpu.dma_semaphore, #tpu.memory_space<semaphore_mem>>) src(%dma_wait3A_48 : memref<158x64xi32, #tpu.memory_space<hbm>>) dst(%arg12 : memref<158x64xi32, #tpu.memory_space<vmem>>)
      tpu.yield
    }) : () -> ()
    "tpu.region"() ({
      %run_scoped3A = tpu.sem_alloc : memref<!tpu.dma_semaphore, #tpu.memory_space<semaphore_mem>>
      tpu.enqueue_dma source(%arg7 : memref<64x16xf32, #tpu.memory_space<hbm>>) target(%arg15 : memref<64x16xf32, #tpu.memory_space<vmem>>) target_semaphore(%run_scoped3A : memref<!tpu.dma_semaphore, #tpu.memory_space<semaphore_mem>>)
      tpu.wait_dma2 semaphore(%run_scoped3A : memref<!tpu.dma_semaphore, #tpu.memory_space<semaphore_mem>>) src(%arg7 : memref<64x16xf32, #tpu.memory_space<hbm>>) dst(%arg15 : memref<64x16xf32, #tpu.memory_space<vmem>>)
      tpu.yield
    }) : () -> ()
    "tpu.region"() ({
      %run_scoped3A = tpu.sem_alloc : memref<!tpu.dma_semaphore, #tpu.memory_space<semaphore_mem>>
      tpu.enqueue_dma source(%arg8 : memref<64xi32, #tpu.memory_space<hbm>>) target(%arg16 : memref<64xi32, #tpu.memory_space<vmem>>) target_semaphore(%run_scoped3A : memref<!tpu.dma_semaphore, #tpu.memory_space<semaphore_mem>>)
      tpu.wait_dma2 semaphore(%run_scoped3A : memref<!tpu.dma_semaphore, #tpu.memory_space<semaphore_mem>>) src(%arg8 : memref<64xi32, #tpu.memory_space<hbm>>) dst(%arg16 : memref<64xi32, #tpu.memory_space<vmem>>)
      tpu.yield
    }) : () -> ()
    %mul3A_1 = arith.constant 632 : i32
    %mul3A_2 = arith.muli %arg1, %mul3A_1 : i32
    "tpu.region"() ({
      %run_scoped3A = tpu.sem_alloc : memref<!tpu.dma_semaphore, #tpu.memory_space<semaphore_mem>>
      %dma_start3A_33 = arith.constant 0 : i32
      %dma_start3A_34 = tpu.memref_slice %arg17[%mul3A_2, %dma_start3A_33] : memref<10112x128xf32, #tpu.memory_space<vmem_shared>> -> memref<632x128xf32, #tpu.memory_space<vmem_shared>>
      %dma_start3A_35 = arith.constant 0 : i32
      %dma_start3A_36 = tpu.memref_slice %arg5[%mul3A_2, %dma_start3A_35] : memref<10112x128xf32, #tpu.memory_space<hbm>> -> memref<632x128xf32, #tpu.memory_space<hbm>>
      tpu.enqueue_dma source(%dma_start3A_36 : memref<632x128xf32, #tpu.memory_space<hbm>>) target(%dma_start3A_34 : memref<632x128xf32, #tpu.memory_space<vmem_shared>>) target_semaphore(%run_scoped3A : memref<!tpu.dma_semaphore, #tpu.memory_space<semaphore_mem>>)
      %dma_wait3A_37 = arith.constant 0 : i32
      %dma_wait3A_38 = tpu.memref_slice %arg17[%mul3A_2, %dma_wait3A_37] : memref<10112x128xf32, #tpu.memory_space<vmem_shared>> -> memref<632x128xf32, #tpu.memory_space<vmem_shared>>
      %dma_wait3A_39 = arith.constant 0 : i32
      %dma_wait3A_40 = tpu.memref_slice %arg5[%mul3A_2, %dma_wait3A_39] : memref<10112x128xf32, #tpu.memory_space<hbm>> -> memref<632x128xf32, #tpu.memory_space<hbm>>
      tpu.wait_dma2 semaphore(%run_scoped3A : memref<!tpu.dma_semaphore, #tpu.memory_space<semaphore_mem>>) src(%dma_wait3A_40 : memref<632x128xf32, #tpu.memory_space<hbm>>) dst(%dma_wait3A_38 : memref<632x128xf32, #tpu.memory_space<vmem_shared>>)
      tpu.yield
    }) : () -> ()
    "tpu.region"() ({
      %run_scoped3A = tpu.sem_alloc : memref<!tpu.dma_semaphore, #tpu.memory_space<semaphore_mem>>
      %dma_start3A_33 = arith.constant 0 : i32
      %dma_start3A_34 = tpu.memref_slice %arg18[%mul3A_2, %dma_start3A_33] : memref<10112x16xf32, #tpu.memory_space<vmem_shared>> -> memref<632x16xf32, #tpu.memory_space<vmem_shared>>
      %dma_start3A_35 = arith.constant 0 : i32
      %dma_start3A_36 = tpu.memref_slice %arg6[%mul3A_2, %dma_start3A_35] : memref<10112x16xf32, #tpu.memory_space<hbm>> -> memref<632x16xf32, #tpu.memory_space<hbm>>
      tpu.enqueue_dma source(%dma_start3A_36 : memref<632x16xf32, #tpu.memory_space<hbm>>) target(%dma_start3A_34 : memref<632x16xf32, #tpu.memory_space<vmem_shared>>) target_semaphore(%run_scoped3A : memref<!tpu.dma_semaphore, #tpu.memory_space<semaphore_mem>>)
      %dma_wait3A_37 = arith.constant 0 : i32
      %dma_wait3A_38 = tpu.memref_slice %arg18[%mul3A_2, %dma_wait3A_37] : memref<10112x16xf32, #tpu.memory_space<vmem_shared>> -> memref<632x16xf32, #tpu.memory_space<vmem_shared>>
      %dma_wait3A_39 = arith.constant 0 : i32
      %dma_wait3A_40 = tpu.memref_slice %arg6[%mul3A_2, %dma_wait3A_39] : memref<10112x16xf32, #tpu.memory_space<hbm>> -> memref<632x16xf32, #tpu.memory_space<hbm>>
      tpu.wait_dma2 semaphore(%run_scoped3A : memref<!tpu.dma_semaphore, #tpu.memory_space<semaphore_mem>>) src(%dma_wait3A_40 : memref<632x16xf32, #tpu.memory_space<hbm>>) dst(%dma_wait3A_38 : memref<632x16xf32, #tpu.memory_space<vmem_shared>>)
      tpu.yield
    }) : () -> ()
    %barrier3A = arith.constant 0 : index
    tpu.barrier barrier_id(%barrier3A)
    %dma_start3A = arith.constant 0 : i32
    %dma_start3A_3 = arith.constant 0 : i32
    %dma_start3A_4 = tpu.memref_slice %arg11[%dma_start3A, %dma_start3A_3] : memref<158x64xi32, #tpu.memory_space<vmem>> -> memref<1x64xi32, #tpu.memory_space<vmem>>
    %dma_start3A_5 = tpu.memref_squeeze %dma_start3A_4 : memref<1x64xi32, #tpu.memory_space<vmem>> -> memref<64xi32, #tpu.memory_space<vmem>>
    %dma_start3A_6 = arith.constant 0 : i32
    %dma_start3A_7 = arith.constant 0 : i32
    %dma_start3A_8 = tpu.memref_slice %arg2[%dma_start3A_6, %dma_start3A_7] : memref<10000x128xf32, #tpu.memory_space<hbm>> -> memref<10000x128xf32, #tpu.memory_space<hbm>>
    tpu.enqueue_indirect_dma source(%dma_start3A_8 : memref<10000x128xf32, #tpu.memory_space<hbm>>) target(%arg13 : memref<64x128xf32, #tpu.memory_space<vmem>>) offsets(%dma_start3A_5 : memref<64xi32, #tpu.memory_space<vmem>>) semaphore(%arg19 : memref<!tpu.dma_semaphore, #tpu.memory_space<semaphore_mem>>)
    %dma_start3A_9 = arith.constant 0 : i32
    %dma_start3A_10 = arith.constant 0 : i32
    %dma_start3A_11 = tpu.memref_slice %arg18[%dma_start3A_9, %dma_start3A_10] : memref<10112x16xf32, #tpu.memory_space<vmem_shared>> -> memref<10112x16xf32, #tpu.memory_space<vmem_shared>>
    tpu.enqueue_indirect_dma source(%arg15 : memref<64x16xf32, #tpu.memory_space<vmem>>) target(%dma_start3A_11 : memref<10112x16xf32, #tpu.memory_space<vmem_shared>>) offsets(%arg16 : memref<64xi32, #tpu.memory_space<vmem>>) semaphore(%arg21 : memref<!tpu.dma_semaphore, #tpu.memory_space<semaphore_mem>>) {add = true}
    %dma_start3A_12 = arith.constant 0 : i32
    %dma_start3A_13 = arith.constant 0 : i32
    %dma_start3A_14 = tpu.memref_slice %arg18[%dma_start3A_12, %dma_start3A_13] : memref<10112x16xf32, #tpu.memory_space<vmem_shared>> -> memref<10112x16xf32, #tpu.memory_space<vmem_shared>>
    tpu.enqueue_indirect_dma source(%arg15 : memref<64x16xf32, #tpu.memory_space<vmem>>) target(%dma_start3A_14 : memref<10112x16xf32, #tpu.memory_space<vmem_shared>>) offsets(%arg16 : memref<64xi32, #tpu.memory_space<vmem>>) semaphore(%arg21 : memref<!tpu.dma_semaphore, #tpu.memory_space<semaphore_mem>>) {add = true}
    %scan3A = arith.constant 0 : i32
    %scan3A_15 = arith.constant 0 : i32
    %scan3A_16 = arith.constant 79 : i32
    %scan3A_17 = arith.addi %scan3A_15, %scan3A_16 : i32
    %scan3A_18 = arith.constant 1 : i32
    scf.for %scan3A_33 = %scan3A_15 to %scan3A_17 step %scan3A_18  : i32 {
      %mul3A_34 = arith.constant 2 : i32
      %mul3A_35 = arith.muli %mul3A_34, %scan3A_33 : i32
      %add3A_36 = arith.constant 1 : i32
      %add3A_37 = arith.addi %mul3A_35, %add3A_36 : i32
      %dma_start3A_38 = arith.constant 0 : i32
      %dma_start3A_39 = tpu.memref_slice %arg11[%add3A_37, %dma_start3A_38] : memref<158x64xi32, #tpu.memory_space<vmem>> -> memref<1x64xi32, #tpu.memory_space<vmem>>
      %dma_start3A_40 = tpu.memref_squeeze %dma_start3A_39 : memref<1x64xi32, #tpu.memory_space<vmem>> -> memref<64xi32, #tpu.memory_space<vmem>>
      %dma_start3A_41 = arith.constant 0 : i32
      %dma_start3A_42 = arith.constant 0 : i32
      %dma_start3A_43 = tpu.memref_slice %arg2[%dma_start3A_41, %dma_start3A_42] : memref<10000x128xf32, #tpu.memory_space<hbm>> -> memref<10000x128xf32, #tpu.memory_space<hbm>>
      tpu.enqueue_indirect_dma source(%dma_start3A_43 : memref<10000x128xf32, #tpu.memory_space<hbm>>) target(%arg14 : memref<64x128xf32, #tpu.memory_space<vmem>>) offsets(%dma_start3A_40 : memref<64xi32, #tpu.memory_space<vmem>>) semaphore(%arg20 : memref<!tpu.dma_semaphore, #tpu.memory_space<semaphore_mem>>)
      %dma_start3A_44 = arith.constant 0 : i32
      %dma_start3A_45 = tpu.memref_slice %arg12[%mul3A_35, %dma_start3A_44] : memref<158x64xi32, #tpu.memory_space<vmem>> -> memref<1x64xi32, #tpu.memory_space<vmem>>
      %dma_start3A_46 = tpu.memref_squeeze %dma_start3A_45 : memref<1x64xi32, #tpu.memory_space<vmem>> -> memref<64xi32, #tpu.memory_space<vmem>>
      %dma_start3A_47 = arith.constant 0 : i32
      %dma_start3A_48 = arith.constant 0 : i32
      %dma_start3A_49 = tpu.memref_slice %arg18[%dma_start3A_47, %dma_start3A_48] : memref<10112x16xf32, #tpu.memory_space<vmem_shared>> -> memref<10112x16xf32, #tpu.memory_space<vmem_shared>>
      tpu.enqueue_indirect_dma source(%arg15 : memref<64x16xf32, #tpu.memory_space<vmem>>) target(%dma_start3A_49 : memref<10112x16xf32, #tpu.memory_space<vmem_shared>>) offsets(%dma_start3A_46 : memref<64xi32, #tpu.memory_space<vmem>>) semaphore(%arg21 : memref<!tpu.dma_semaphore, #tpu.memory_space<semaphore_mem>>) {add = true}
      %dma_wait3A_50 = arith.constant 0 : i32
      %dma_wait3A_51 = tpu.memref_slice %arg11[%mul3A_35, %dma_wait3A_50] : memref<158x64xi32, #tpu.memory_space<vmem>> -> memref<1x64xi32, #tpu.memory_space<vmem>>
      %dma_wait3A_52 = tpu.memref_squeeze %dma_wait3A_51 : memref<1x64xi32, #tpu.memory_space<vmem>> -> memref<64xi32, #tpu.memory_space<vmem>>
      %dma_wait3A_53 = arith.constant 0 : i32
      %dma_wait3A_54 = arith.constant 0 : i32
      %dma_wait3A_55 = tpu.memref_slice %arg2[%dma_wait3A_53, %dma_wait3A_54] : memref<10000x128xf32, #tpu.memory_space<hbm>> -> memref<10000x128xf32, #tpu.memory_space<hbm>>
      tpu.wait_indirect_dma semaphore(%arg19 : memref<!tpu.dma_semaphore, #tpu.memory_space<semaphore_mem>>) src(%dma_wait3A_55 : memref<10000x128xf32, #tpu.memory_space<hbm>>) dst(%arg13 : memref<64x128xf32, #tpu.memory_space<vmem>>)
      "tpu.region"() ({
        %run_scoped3A = tpu.sem_alloc : memref<!tpu.dma_semaphore, #tpu.memory_space<semaphore_mem>>
        %dma_start3A_83 = arith.constant 0 : i32
        %dma_start3A_84 = tpu.memref_slice %arg12[%mul3A_35, %dma_start3A_83] : memref<158x64xi32, #tpu.memory_space<vmem>> -> memref<1x64xi32, #tpu.memory_space<vmem>>
        %dma_start3A_85 = tpu.memref_squeeze %dma_start3A_84 : memref<1x64xi32, #tpu.memory_space<vmem>> -> memref<64xi32, #tpu.memory_space<vmem>>
        %dma_start3A_86 = arith.constant 0 : i32
        %dma_start3A_87 = arith.constant 0 : i32
        %dma_start3A_88 = tpu.memref_slice %arg17[%dma_start3A_86, %dma_start3A_87] : memref<10112x128xf32, #tpu.memory_space<vmem_shared>> -> memref<10112x128xf32, #tpu.memory_space<vmem_shared>>
        tpu.enqueue_indirect_dma source(%arg13 : memref<64x128xf32, #tpu.memory_space<vmem>>) target(%dma_start3A_88 : memref<10112x128xf32, #tpu.memory_space<vmem_shared>>) offsets(%dma_start3A_85 : memref<64xi32, #tpu.memory_space<vmem>>) semaphore(%run_scoped3A : memref<!tpu.dma_semaphore, #tpu.memory_space<semaphore_mem>>) {add = true}
        %dma_wait3A_89 = arith.constant 0 : i32
        %dma_wait3A_90 = tpu.memref_slice %arg12[%mul3A_35, %dma_wait3A_89] : memref<158x64xi32, #tpu.memory_space<vmem>> -> memref<1x64xi32, #tpu.memory_space<vmem>>
        %dma_wait3A_91 = tpu.memref_squeeze %dma_wait3A_90 : memref<1x64xi32, #tpu.memory_space<vmem>> -> memref<64xi32, #tpu.memory_space<vmem>>
        %dma_wait3A_92 = arith.constant 0 : i32
        %dma_wait3A_93 = arith.constant 0 : i32
        %dma_wait3A_94 = tpu.memref_slice %arg17[%dma_wait3A_92, %dma_wait3A_93] : memref<10112x128xf32, #tpu.memory_space<vmem_shared>> -> memref<10112x128xf32, #tpu.memory_space<vmem_shared>>
        tpu.wait_indirect_dma semaphore(%run_scoped3A : memref<!tpu.dma_semaphore, #tpu.memory_space<semaphore_mem>>) src(%arg13 : memref<64x128xf32, #tpu.memory_space<vmem>>) dst(%dma_wait3A_94 : memref<10112x128xf32, #tpu.memory_space<vmem_shared>>)
        tpu.yield
      }) : () -> ()
      %add3A_56 = arith.constant 2 : i32
      %add3A_57 = arith.addi %mul3A_35, %add3A_56 : i32
      %min3A = arith.constant 157 : i32
      %min3A_58 = arith.minsi %add3A_57, %min3A : i32
      %dma_start3A_59 = arith.constant 0 : i32
      %dma_start3A_60 = tpu.memref_slice %arg11[%min3A_58, %dma_start3A_59] : memref<158x64xi32, #tpu.memory_space<vmem>> -> memref<1x64xi32, #tpu.memory_space<vmem>>
      %dma_start3A_61 = tpu.memref_squeeze %dma_start3A_60 : memref<1x64xi32, #tpu.memory_space<vmem>> -> memref<64xi32, #tpu.memory_space<vmem>>
      %dma_start3A_62 = arith.constant 0 : i32
      %dma_start3A_63 = arith.constant 0 : i32
      %dma_start3A_64 = tpu.memref_slice %arg2[%dma_start3A_62, %dma_start3A_63] : memref<10000x128xf32, #tpu.memory_space<hbm>> -> memref<10000x128xf32, #tpu.memory_space<hbm>>
      tpu.enqueue_indirect_dma source(%dma_start3A_64 : memref<10000x128xf32, #tpu.memory_space<hbm>>) target(%arg13 : memref<64x128xf32, #tpu.memory_space<vmem>>) offsets(%dma_start3A_61 : memref<64xi32, #tpu.memory_space<vmem>>) semaphore(%arg19 : memref<!tpu.dma_semaphore, #tpu.memory_space<semaphore_mem>>)
      %dma_start3A_65 = arith.constant 0 : i32
      %dma_start3A_66 = tpu.memref_slice %arg12[%add3A_37, %dma_start3A_65] : memref<158x64xi32, #tpu.memory_space<vmem>> -> memref<1x64xi32, #tpu.memory_space<vmem>>
      %dma_start3A_67 = tpu.memref_squeeze %dma_start3A_66 : memref<1x64xi32, #tpu.memory_space<vmem>> -> memref<64xi32, #tpu.memory_space<vmem>>
      %dma_start3A_68 = arith.constant 0 : i32
      %dma_start3A_69 = arith.constant 0 : i32
      %dma_start3A_70 = tpu.memref_slice %arg18[%dma_start3A_68, %dma_start3A_69] : memref<10112x16xf32, #tpu.memory_space<vmem_shared>> -> memref<10112x16xf32, #tpu.memory_space<vmem_shared>>
      tpu.enqueue_indirect_dma source(%arg15 : memref<64x16xf32, #tpu.memory_space<vmem>>) target(%dma_start3A_70 : memref<10112x16xf32, #tpu.memory_space<vmem_shared>>) offsets(%dma_start3A_67 : memref<64xi32, #tpu.memory_space<vmem>>) semaphore(%arg21 : memref<!tpu.dma_semaphore, #tpu.memory_space<semaphore_mem>>) {add = true}
      %dma_wait3A_71 = arith.constant 0 : i32
      %dma_wait3A_72 = arith.constant 0 : i32
      %dma_wait3A_73 = tpu.memref_slice %arg18[%dma_wait3A_71, %dma_wait3A_72] : memref<10112x16xf32, #tpu.memory_space<vmem_shared>> -> memref<10112x16xf32, #tpu.memory_space<vmem_shared>>
      tpu.wait_indirect_dma semaphore(%arg21 : memref<!tpu.dma_semaphore, #tpu.memory_space<semaphore_mem>>) src(%arg15 : memref<64x16xf32, #tpu.memory_space<vmem>>) dst(%dma_wait3A_73 : memref<10112x16xf32, #tpu.memory_space<vmem_shared>>)
      %dma_wait3A_74 = arith.constant 0 : i32
      %dma_wait3A_75 = tpu.memref_slice %arg11[%add3A_37, %dma_wait3A_74] : memref<158x64xi32, #tpu.memory_space<vmem>> -> memref<1x64xi32, #tpu.memory_space<vmem>>
      %dma_wait3A_76 = tpu.memref_squeeze %dma_wait3A_75 : memref<1x64xi32, #tpu.memory_space<vmem>> -> memref<64xi32, #tpu.memory_space<vmem>>
      %dma_wait3A_77 = arith.constant 0 : i32
      %dma_wait3A_78 = arith.constant 0 : i32
      %dma_wait3A_79 = tpu.memref_slice %arg2[%dma_wait3A_77, %dma_wait3A_78] : memref<10000x128xf32, #tpu.memory_space<hbm>> -> memref<10000x128xf32, #tpu.memory_space<hbm>>
      tpu.wait_indirect_dma semaphore(%arg20 : memref<!tpu.dma_semaphore, #tpu.memory_space<semaphore_mem>>) src(%dma_wait3A_79 : memref<10000x128xf32, #tpu.memory_space<hbm>>) dst(%arg14 : memref<64x128xf32, #tpu.memory_space<vmem>>)
      "tpu.region"() ({
        %run_scoped3A = tpu.sem_alloc : memref<!tpu.dma_semaphore, #tpu.memory_space<semaphore_mem>>
        %dma_start3A_83 = arith.constant 0 : i32
        %dma_start3A_84 = tpu.memref_slice %arg12[%add3A_37, %dma_start3A_83] : memref<158x64xi32, #tpu.memory_space<vmem>> -> memref<1x64xi32, #tpu.memory_space<vmem>>
        %dma_start3A_85 = tpu.memref_squeeze %dma_start3A_84 : memref<1x64xi32, #tpu.memory_space<vmem>> -> memref<64xi32, #tpu.memory_space<vmem>>
        %dma_start3A_86 = arith.constant 0 : i32
        %dma_start3A_87 = arith.constant 0 : i32
        %dma_start3A_88 = tpu.memref_slice %arg17[%dma_start3A_86, %dma_start3A_87] : memref<10112x128xf32, #tpu.memory_space<vmem_shared>> -> memref<10112x128xf32, #tpu.memory_space<vmem_shared>>
        tpu.enqueue_indirect_dma source(%arg14 : memref<64x128xf32, #tpu.memory_space<vmem>>) target(%dma_start3A_88 : memref<10112x128xf32, #tpu.memory_space<vmem_shared>>) offsets(%dma_start3A_85 : memref<64xi32, #tpu.memory_space<vmem>>) semaphore(%run_scoped3A : memref<!tpu.dma_semaphore, #tpu.memory_space<semaphore_mem>>) {add = true}
        %dma_wait3A_89 = arith.constant 0 : i32
        %dma_wait3A_90 = tpu.memref_slice %arg12[%add3A_37, %dma_wait3A_89] : memref<158x64xi32, #tpu.memory_space<vmem>> -> memref<1x64xi32, #tpu.memory_space<vmem>>
        %dma_wait3A_91 = tpu.memref_squeeze %dma_wait3A_90 : memref<1x64xi32, #tpu.memory_space<vmem>> -> memref<64xi32, #tpu.memory_space<vmem>>
        %dma_wait3A_92 = arith.constant 0 : i32
        %dma_wait3A_93 = arith.constant 0 : i32
        %dma_wait3A_94 = tpu.memref_slice %arg17[%dma_wait3A_92, %dma_wait3A_93] : memref<10112x128xf32, #tpu.memory_space<vmem_shared>> -> memref<10112x128xf32, #tpu.memory_space<vmem_shared>>
        tpu.wait_indirect_dma semaphore(%run_scoped3A : memref<!tpu.dma_semaphore, #tpu.memory_space<semaphore_mem>>) src(%arg14 : memref<64x128xf32, #tpu.memory_space<vmem>>) dst(%dma_wait3A_94 : memref<10112x128xf32, #tpu.memory_space<vmem_shared>>)
        tpu.yield
      }) : () -> ()
      %dma_wait3A_80 = arith.constant 0 : i32
      %dma_wait3A_81 = arith.constant 0 : i32
      %dma_wait3A_82 = tpu.memref_slice %arg18[%dma_wait3A_80, %dma_wait3A_81] : memref<10112x16xf32, #tpu.memory_space<vmem_shared>> -> memref<10112x16xf32, #tpu.memory_space<vmem_shared>>
      tpu.wait_indirect_dma semaphore(%arg21 : memref<!tpu.dma_semaphore, #tpu.memory_space<semaphore_mem>>) src(%arg15 : memref<64x16xf32, #tpu.memory_space<vmem>>) dst(%dma_wait3A_82 : memref<10112x16xf32, #tpu.memory_space<vmem_shared>>)
    }
    %scan3A_19 = arith.constant 79 : i32
    %dma_wait3A = arith.constant 157 : i32
    %dma_wait3A_20 = arith.constant 0 : i32
    %dma_wait3A_21 = tpu.memref_slice %arg11[%dma_wait3A, %dma_wait3A_20] : memref<158x64xi32, #tpu.memory_space<vmem>> -> memref<1x64xi32, #tpu.memory_space<vmem>>
    %dma_wait3A_22 = tpu.memref_squeeze %dma_wait3A_21 : memref<1x64xi32, #tpu.memory_space<vmem>> -> memref<64xi32, #tpu.memory_space<vmem>>
    %dma_wait3A_23 = arith.constant 0 : i32
    %dma_wait3A_24 = arith.constant 0 : i32
    %dma_wait3A_25 = tpu.memref_slice %arg2[%dma_wait3A_23, %dma_wait3A_24] : memref<10000x128xf32, #tpu.memory_space<hbm>> -> memref<10000x128xf32, #tpu.memory_space<hbm>>
    tpu.wait_indirect_dma semaphore(%arg19 : memref<!tpu.dma_semaphore, #tpu.memory_space<semaphore_mem>>) src(%dma_wait3A_25 : memref<10000x128xf32, #tpu.memory_space<hbm>>) dst(%arg13 : memref<64x128xf32, #tpu.memory_space<vmem>>)
    %dma_wait3A_26 = arith.constant 0 : i32
    %dma_wait3A_27 = arith.constant 0 : i32
    %dma_wait3A_28 = tpu.memref_slice %arg18[%dma_wait3A_26, %dma_wait3A_27] : memref<10112x16xf32, #tpu.memory_space<vmem_shared>> -> memref<10112x16xf32, #tpu.memory_space<vmem_shared>>
    tpu.wait_indirect_dma semaphore(%arg21 : memref<!tpu.dma_semaphore, #tpu.memory_space<semaphore_mem>>) src(%arg15 : memref<64x16xf32, #tpu.memory_space<vmem>>) dst(%dma_wait3A_28 : memref<10112x16xf32, #tpu.memory_space<vmem_shared>>)
    %dma_wait3A_29 = arith.constant 0 : i32
    %dma_wait3A_30 = arith.constant 0 : i32
    %dma_wait3A_31 = tpu.memref_slice %arg18[%dma_wait3A_29, %dma_wait3A_30] : memref<10112x16xf32, #tpu.memory_space<vmem_shared>> -> memref<10112x16xf32, #tpu.memory_space<vmem_shared>>
    tpu.wait_indirect_dma semaphore(%arg21 : memref<!tpu.dma_semaphore, #tpu.memory_space<semaphore_mem>>) src(%arg15 : memref<64x16xf32, #tpu.memory_space<vmem>>) dst(%dma_wait3A_31 : memref<10112x16xf32, #tpu.memory_space<vmem_shared>>)
    %barrier3A_32 = arith.constant 0 : index
    tpu.barrier barrier_id(%barrier3A_32)
    "tpu.region"() ({
      %run_scoped3A = tpu.sem_alloc : memref<!tpu.dma_semaphore, #tpu.memory_space<semaphore_mem>>
      %dma_start3A_33 = arith.constant 0 : i32
      %dma_start3A_34 = tpu.memref_slice %arg9[%arg0, %mul3A_2, %dma_start3A_33] : memref<2x10112x128xf32, #tpu.memory_space<hbm>> -> memref<1x632x128xf32, #tpu.memory_space<hbm>>
      %dma_start3A_35 = tpu.memref_squeeze %dma_start3A_34 : memref<1x632x128xf32, #tpu.memory_space<hbm>> -> memref<632x128xf32, #tpu.memory_space<hbm>>
      %dma_start3A_36 = arith.constant 0 : i32
      %dma_start3A_37 = tpu.memref_slice %arg17[%mul3A_2, %dma_start3A_36] : memref<10112x128xf32, #tpu.memory_space<vmem_shared>> -> memref<632x128xf32, #tpu.memory_space<vmem_shared>>
      tpu.enqueue_dma source(%dma_start3A_37 : memref<632x128xf32, #tpu.memory_space<vmem_shared>>) target(%dma_start3A_35 : memref<632x128xf32, #tpu.memory_space<hbm>>) target_semaphore(%run_scoped3A : memref<!tpu.dma_semaphore, #tpu.memory_space<semaphore_mem>>)
      %dma_wait3A_38 = arith.constant 0 : i32
      %dma_wait3A_39 = tpu.memref_slice %arg9[%arg0, %mul3A_2, %dma_wait3A_38] : memref<2x10112x128xf32, #tpu.memory_space<hbm>> -> memref<1x632x128xf32, #tpu.memory_space<hbm>>
      %dma_wait3A_40 = tpu.memref_squeeze %dma_wait3A_39 : memref<1x632x128xf32, #tpu.memory_space<hbm>> -> memref<632x128xf32, #tpu.memory_space<hbm>>
      %dma_wait3A_41 = arith.constant 0 : i32
      %dma_wait3A_42 = tpu.memref_slice %arg17[%mul3A_2, %dma_wait3A_41] : memref<10112x128xf32, #tpu.memory_space<vmem_shared>> -> memref<632x128xf32, #tpu.memory_space<vmem_shared>>
      tpu.wait_dma2 semaphore(%run_scoped3A : memref<!tpu.dma_semaphore, #tpu.memory_space<semaphore_mem>>) src(%dma_wait3A_42 : memref<632x128xf32, #tpu.memory_space<vmem_shared>>) dst(%dma_wait3A_40 : memref<632x128xf32, #tpu.memory_space<hbm>>)
      tpu.yield
    }) : () -> ()
    "tpu.region"() ({
      %run_scoped3A = tpu.sem_alloc : memref<!tpu.dma_semaphore, #tpu.memory_space<semaphore_mem>>
      %dma_start3A_33 = arith.constant 0 : i32
      %dma_start3A_34 = tpu.memref_slice %arg10[%arg0, %mul3A_2, %dma_start3A_33] : memref<2x10112x16xf32, #tpu.memory_space<hbm>> -> memref<1x632x16xf32, #tpu.memory_space<hbm>>
      %dma_start3A_35 = tpu.memref_squeeze %dma_start3A_34 : memref<1x632x16xf32, #tpu.memory_space<hbm>> -> memref<632x16xf32, #tpu.memory_space<hbm>>
      %dma_start3A_36 = arith.constant 0 : i32
      %dma_start3A_37 = tpu.memref_slice %arg18[%mul3A_2, %dma_start3A_36] : memref<10112x16xf32, #tpu.memory_space<vmem_shared>> -> memref<632x16xf32, #tpu.memory_space<vmem_shared>>
      tpu.enqueue_dma source(%dma_start3A_37 : memref<632x16xf32, #tpu.memory_space<vmem_shared>>) target(%dma_start3A_35 : memref<632x16xf32, #tpu.memory_space<hbm>>) target_semaphore(%run_scoped3A : memref<!tpu.dma_semaphore, #tpu.memory_space<semaphore_mem>>)
      %dma_wait3A_38 = arith.constant 0 : i32
      %dma_wait3A_39 = tpu.memref_slice %arg10[%arg0, %mul3A_2, %dma_wait3A_38] : memref<2x10112x16xf32, #tpu.memory_space<hbm>> -> memref<1x632x16xf32, #tpu.memory_space<hbm>>
      %dma_wait3A_40 = tpu.memref_squeeze %dma_wait3A_39 : memref<1x632x16xf32, #tpu.memory_space<hbm>> -> memref<632x16xf32, #tpu.memory_space<hbm>>
      %dma_wait3A_41 = arith.constant 0 : i32
      %dma_wait3A_42 = tpu.memref_slice %arg18[%mul3A_2, %dma_wait3A_41] : memref<10112x16xf32, #tpu.memory_space<vmem_shared>> -> memref<632x16xf32, #tpu.memory_space<vmem_shared>>
      tpu.wait_dma2 semaphore(%run_scoped3A : memref<!tpu.dma_semaphore, #tpu.memory_space<semaphore_mem>>) src(%dma_wait3A_42 : memref<632x16xf32, #tpu.memory_space<vmem_shared>>) dst(%dma_wait3A_40 : memref<632x16xf32, #tpu.memory_space<hbm>>)
      tpu.yield
    }) : () -> ()
    return
  }
}

module attributes {stable_mosaic.version = 14 : i64} {
  func.func @_dense_body(%arg0: memref<10000x128xf32, #tpu.memory_space<vmem>>, %arg1: memref<2x10112x128xf32, #tpu.memory_space<vmem>>, %arg2: memref<2x10112x16xf32, #tpu.memory_space<vmem>>, %arg3: memref<128x128xf32, #tpu.memory_space<vmem>>, %arg4: memref<1x128xf32, #tpu.memory_space<vmem>>, %arg5: memref<128x128xf32, #tpu.memory_space<vmem>>, %arg6: memref<1x128xf32, #tpu.memory_space<vmem>>, %arg7: memref<1x128xf32, #tpu.memory_space<vmem>>, %arg8: memref<128x256xf32, #tpu.memory_space<vmem>>, %arg9: memref<1x128xf32, #tpu.memory_space<vmem>>, %arg10: memref<10000x128xf32, #tpu.memory_space<vmem>>) attributes {dimension_semantics = [], scalar_prefetch = 0 : i64, scratch_operands = 0 : i64, tpu.core_type = #tpu.core_type<tc>} {
    %get3A = arith.constant 0 : index
    %get3A_0 = arith.constant 0 : index
    %get3A_1 = vector.load %arg0[%get3A, %get3A_0] : memref<10000x128xf32, #tpu.memory_space<vmem>>, vector<10000x128xf32>
    %get3A_2 = arith.constant 0 : index
    %get3A_3 = arith.constant 0 : index
    %get3A_4 = arith.constant 0 : index
    %get3A_5 = vector.load %arg1[%get3A_2, %get3A_3, %get3A_4] : memref<2x10112x128xf32, #tpu.memory_space<vmem>>, vector<1x10112x128xf32>
    %get3A_6 = vector.shape_cast %get3A_5 : vector<1x10112x128xf32> to vector<10112x128xf32>
    %get3A_7 = arith.constant 1 : index
    %get3A_8 = arith.constant 0 : index
    %get3A_9 = arith.constant 0 : index
    %get3A_10 = vector.load %arg1[%get3A_7, %get3A_8, %get3A_9] : memref<2x10112x128xf32, #tpu.memory_space<vmem>>, vector<1x10112x128xf32>
    %get3A_11 = vector.shape_cast %get3A_10 : vector<1x10112x128xf32> to vector<10112x128xf32>
    %slice3A = vector.extract_strided_slice %get3A_6 {offsets = [0, 0], sizes = [10000, 128], strides = [1, 1]} : vector<10112x128xf32> to vector<10000x128xf32>
    %slice3A_12 = vector.extract_strided_slice %get3A_11 {offsets = [0, 0], sizes = [10000, 128], strides = [1, 1]} : vector<10112x128xf32> to vector<10000x128xf32>
    %add3A = arith.addf %slice3A, %slice3A_12 : vector<10000x128xf32>
    %get3A_13 = arith.constant 0 : index
    %get3A_14 = arith.constant 0 : index
    %get3A_15 = arith.constant 0 : index
    %get3A_16 = vector.load %arg2[%get3A_13, %get3A_14, %get3A_15] : memref<2x10112x16xf32, #tpu.memory_space<vmem>>, vector<1x10000x16xf32>
    %get3A_17 = vector.shape_cast %get3A_16 : vector<1x10000x16xf32> to vector<10000x16xf32>
    %get3A_18 = arith.constant 1 : index
    %get3A_19 = arith.constant 0 : index
    %get3A_20 = arith.constant 0 : index
    %get3A_21 = vector.load %arg2[%get3A_18, %get3A_19, %get3A_20] : memref<2x10112x16xf32, #tpu.memory_space<vmem>>, vector<1x10000x16xf32>
    %get3A_22 = vector.shape_cast %get3A_21 : vector<1x10000x16xf32> to vector<10000x16xf32>
    %add3A_23 = arith.addf %get3A_17, %get3A_22 : vector<10000x16xf32>
    %reduce_sum3A = arith.constant dense<0.000000e+00> : vector<10000xf32>
    %reduce_sum3A_24 = vector.multi_reduction <add>, %add3A_23, %reduce_sum3A [1] : vector<10000x16xf32> to vector<10000xf32>
    %broadcast_in_dim3A = vector.shape_cast %reduce_sum3A_24 : vector<10000xf32> to vector<10000x1xf32>
    %max3A = arith.constant 1.000000e+00 : f32
    %max3A_25 = vector.broadcast %max3A : f32 to vector<10000x1xf32>
    %max3A_26 = arith.maximumf %broadcast_in_dim3A, %max3A_25 : vector<10000x1xf32>
    %div3A = vector.broadcast %max3A_26 : vector<10000x1xf32> to vector<10000x128xf32>
    %div3A_27 = arith.divf %add3A, %div3A : vector<10000x128xf32>
    %get3A_28 = arith.constant 0 : index
    %get3A_29 = arith.constant 0 : index
    %get3A_30 = vector.load %arg3[%get3A_28, %get3A_29] : memref<128x128xf32, #tpu.memory_space<vmem>>, vector<128x128xf32>
    %dot_general3A = arith.constant dense<0.000000e+00> : vector<10000x128xf32>
    %dot_general3A_31 = tpu.matmul %div3A_27, %get3A_30, %dot_general3A {dimension_numbers = #tpu.dot_dimension_numbers<[1], [1], [0], [0], [0, 0, 1, 0], [], []>, transpose_lhs_hint = false} : vector<10000x128xf32>, vector<128x128xf32>, vector<10000x128xf32> -> vector<10000x128xf32>
    %get3A_32 = arith.constant 0 : index
    %get3A_33 = arith.constant 0 : index
    %get3A_34 = vector.load %arg4[%get3A_32, %get3A_33] : memref<1x128xf32, #tpu.memory_space<vmem>>, vector<1x128xf32>
    %add3A_35 = vector.broadcast %get3A_34 : vector<1x128xf32> to vector<10000x128xf32>
    %add3A_36 = arith.addf %dot_general3A_31, %add3A_35 : vector<10000x128xf32>
    %get3A_37 = arith.constant 0 : index
    %get3A_38 = arith.constant 0 : index
    %get3A_39 = vector.load %arg5[%get3A_37, %get3A_38] : memref<128x128xf32, #tpu.memory_space<vmem>>, vector<128x128xf32>
    %dot_general3A_40 = arith.constant dense<0.000000e+00> : vector<10000x128xf32>
    %dot_general3A_41 = tpu.matmul %get3A_1, %get3A_39, %dot_general3A_40 {dimension_numbers = #tpu.dot_dimension_numbers<[1], [1], [0], [0], [0, 0, 1, 0], [], []>, transpose_lhs_hint = false} : vector<10000x128xf32>, vector<128x128xf32>, vector<10000x128xf32> -> vector<10000x128xf32>
    %add3A_42 = arith.addf %add3A_36, %dot_general3A_41 : vector<10000x128xf32>
    %reduce_sum3A_43 = arith.constant dense<0.000000e+00> : vector<128xf32>
    %reduce_sum3A_44 = vector.multi_reduction <add>, %add3A_42, %reduce_sum3A_43 [0] : vector<10000x128xf32> to vector<128xf32>
    %broadcast_in_dim3A_45 = vector.shape_cast %reduce_sum3A_44 : vector<128xf32> to vector<1x128xf32>
    %div3A_46 = arith.constant 1.000000e+04 : f32
    %div3A_47 = vector.broadcast %div3A_46 : f32 to vector<1x128xf32>
    %div3A_48 = arith.divf %broadcast_in_dim3A_45, %div3A_47 : vector<1x128xf32>
    %sub3A = vector.broadcast %div3A_48 : vector<1x128xf32> to vector<10000x128xf32>
    %sub3A_49 = arith.subf %add3A_42, %sub3A : vector<10000x128xf32>
    %integer_pow3A = arith.mulf %sub3A_49, %sub3A_49 : vector<10000x128xf32>
    %reduce_sum3A_50 = arith.constant dense<0.000000e+00> : vector<128xf32>
    %reduce_sum3A_51 = vector.multi_reduction <add>, %integer_pow3A, %reduce_sum3A_50 [0] : vector<10000x128xf32> to vector<128xf32>
    %broadcast_in_dim3A_52 = vector.shape_cast %reduce_sum3A_51 : vector<128xf32> to vector<1x128xf32>
    %div3A_53 = arith.constant 1.000000e+04 : f32
    %div3A_54 = vector.broadcast %div3A_53 : f32 to vector<1x128xf32>
    %div3A_55 = arith.divf %broadcast_in_dim3A_52, %div3A_54 : vector<1x128xf32>
    %sub3A_56 = vector.broadcast %div3A_48 : vector<1x128xf32> to vector<10000x128xf32>
    %sub3A_57 = arith.subf %add3A_42, %sub3A_56 : vector<10000x128xf32>
    %add3A_58 = arith.constant 9.99999974E-6 : f32
    %add3A_59 = vector.broadcast %add3A_58 : f32 to vector<1x128xf32>
    %add3A_60 = arith.addf %div3A_55, %add3A_59 : vector<1x128xf32>
    %rsqrt3A = math.rsqrt %add3A_60 : vector<1x128xf32>
    %mul3A = vector.broadcast %rsqrt3A : vector<1x128xf32> to vector<10000x128xf32>
    %mul3A_61 = arith.mulf %sub3A_57, %mul3A : vector<10000x128xf32>
    %get3A_62 = arith.constant 0 : index
    %get3A_63 = arith.constant 0 : index
    %get3A_64 = vector.load %arg6[%get3A_62, %get3A_63] : memref<1x128xf32, #tpu.memory_space<vmem>>, vector<1x128xf32>
    %mul3A_65 = vector.broadcast %get3A_64 : vector<1x128xf32> to vector<10000x128xf32>
    %mul3A_66 = arith.mulf %mul3A_61, %mul3A_65 : vector<10000x128xf32>
    %get3A_67 = arith.constant 0 : index
    %get3A_68 = arith.constant 0 : index
    %get3A_69 = vector.load %arg7[%get3A_67, %get3A_68] : memref<1x128xf32, #tpu.memory_space<vmem>>, vector<1x128xf32>
    %add3A_70 = vector.broadcast %get3A_69 : vector<1x128xf32> to vector<10000x128xf32>
    %add3A_71 = arith.addf %mul3A_66, %add3A_70 : vector<10000x128xf32>
    %mul3A_72 = arith.constant 5.000000e-01 : f32
    %mul3A_73 = vector.broadcast %mul3A_72 : f32 to vector<10000x128xf32>
    %mul3A_74 = arith.mulf %mul3A_73, %add3A_71 : vector<10000x128xf32>
    %mul3A_75 = arith.constant 0.707106769 : f32
    %mul3A_76 = vector.broadcast %mul3A_75 : f32 to vector<10000x128xf32>
    %mul3A_77 = arith.mulf %add3A_71, %mul3A_76 : vector<10000x128xf32>
    %erf3A = math.erf %mul3A_77 : vector<10000x128xf32>
    %add3A_78 = arith.constant 1.000000e+00 : f32
    %add3A_79 = vector.broadcast %add3A_78 : f32 to vector<10000x128xf32>
    %add3A_80 = arith.addf %add3A_79, %erf3A : vector<10000x128xf32>
    %mul3A_81 = arith.mulf %mul3A_74, %add3A_80 : vector<10000x128xf32>
    %get3A_82 = arith.constant 0 : index
    %get3A_83 = arith.constant 0 : index
    %get3A_84 = vector.load %arg8[%get3A_82, %get3A_83] : memref<128x256xf32, #tpu.memory_space<vmem>>, vector<128x256xf32>
    %slice3A_85 = vector.extract_strided_slice %get3A_84 {offsets = [0, 0], sizes = [128, 128], strides = [1, 1]} : vector<128x256xf32> to vector<128x128xf32>
    %dot_general3A_86 = arith.constant dense<0.000000e+00> : vector<10000x128xf32>
    %dot_general3A_87 = tpu.matmul %get3A_1, %slice3A_85, %dot_general3A_86 {dimension_numbers = #tpu.dot_dimension_numbers<[1], [1], [0], [0], [0, 0, 1, 0], [], []>, transpose_lhs_hint = false} : vector<10000x128xf32>, vector<128x128xf32>, vector<10000x128xf32> -> vector<10000x128xf32>
    %slice3A_88 = vector.extract_strided_slice %get3A_84 {offsets = [0, 128], sizes = [128, 128], strides = [1, 1]} : vector<128x256xf32> to vector<128x128xf32>
    %dot_general3A_89 = arith.constant dense<0.000000e+00> : vector<10000x128xf32>
    %dot_general3A_90 = tpu.matmul %mul3A_81, %slice3A_88, %dot_general3A_89 {dimension_numbers = #tpu.dot_dimension_numbers<[1], [1], [0], [0], [0, 0, 1, 0], [], []>, transpose_lhs_hint = false} : vector<10000x128xf32>, vector<128x128xf32>, vector<10000x128xf32> -> vector<10000x128xf32>
    %add3A_91 = arith.addf %dot_general3A_87, %dot_general3A_90 : vector<10000x128xf32>
    %get3A_92 = arith.constant 0 : index
    %get3A_93 = arith.constant 0 : index
    %get3A_94 = vector.load %arg9[%get3A_92, %get3A_93] : memref<1x128xf32, #tpu.memory_space<vmem>>, vector<1x128xf32>
    %add3A_95 = vector.broadcast %get3A_94 : vector<1x128xf32> to vector<10000x128xf32>
    %add3A_96 = arith.addf %add3A_91, %add3A_95 : vector<10000x128xf32>
    %logistic3A = arith.negf %add3A_96 : vector<10000x128xf32>
    %logistic3A_97 = math.exp %logistic3A : vector<10000x128xf32>
    %logistic3A_98 = arith.constant 1.000000e+00 : f32
    %logistic3A_99 = vector.broadcast %logistic3A_98 : f32 to vector<10000x128xf32>
    %logistic3A_100 = arith.addf %logistic3A_99, %logistic3A_97 : vector<10000x128xf32>
    %logistic3A_101 = arith.divf %logistic3A_99, %logistic3A_100 : vector<10000x128xf32>
    %mul3A_102 = arith.mulf %logistic3A_101, %get3A_1 : vector<10000x128xf32>
    %sub3A_103 = arith.constant 1.000000e+00 : f32
    %sub3A_104 = vector.broadcast %sub3A_103 : f32 to vector<10000x128xf32>
    %sub3A_105 = arith.subf %sub3A_104, %logistic3A_101 : vector<10000x128xf32>
    %mul3A_106 = arith.mulf %sub3A_105, %mul3A_81 : vector<10000x128xf32>
    %add3A_107 = arith.addf %mul3A_102, %mul3A_106 : vector<10000x128xf32>
    %swap3A = arith.constant 0 : index
    %swap3A_108 = arith.constant 0 : index
    %swap3A_109 = vector.load %arg10[%swap3A, %swap3A_108] : memref<10000x128xf32, #tpu.memory_space<vmem>>, vector<10000x128xf32>
    tpu.vector_store %arg10[%swap3A, %swap3A_108], %add3A_107 {strides = array<i32>} : memref<10000x128xf32, #tpu.memory_space<vmem>>, vector<10000x128xf32>,
    return
  }
}

</mosaic_0001>

<sc_bundles>
// kernel: kernel.4.cloned.1.call-start
scs
__scs_entry_jumppad:
0x0: {  	(pc) =	sbr.rel $0x88, $3  }
0x1: {  	(tag) =	ssettag $0x0;
	lr =	simm.s32 $0x1  }
0x2: {  	[smem:$0x3F98] =	sst lr;
	_ =	strace $0xD0000000  }
0x3: {  	_ = 	snop  }
0x4: {  	_ = 	snop  }
0x5: {  	_ = 	snop  }
0x6: {  	_ = 	snop  }
0x7: {  	_ = 	snop  }
__scs_overlays_trampoline_lowered:
0x8: {  	[smem:$0x3FA7] =	sst s0  }
0x9: {  	[smem:$0x3FA8] =	sst s1  }
0xa: {  	[smem:$0x3FA9] =	sst s2  }
0xb: {  	[smem:$0x3FAA] =	sst s3  }
0xc: {  	[smem:$0x3FAB] =	sst s4  }
0xd: {  	[smem:$0x3FAC] =	sst s5  }
0xe: {  	[smem:$0x3FAD] =	sst s6  }
0xf: {  	[smem:$0x3FAE] =	sst s7  }
0x10: {  	[smem:$0x3FAF] =	sst s8  }
0x11: {  	[smem:$0x3FB0] =	sst s9;
	s0 =	simm.s32 @!p0 $0x0  }
0x12: {  	s1 =	sld [smem:$0x3F96];
	s0 =	simm.s32 @p0 $0x1  }
0x13: {  	[smem:$0x3FB1] =	sst s0;
	s0 =	simm.s32 @!p1 $0x0  }
0x14: {  	s2 =	sld [smem:$0x3F95];
	s0 =	simm.s32 @p1 $0x1  }
0x15: {  	[smem:$0x3FB2] =	sst s0;
	s0 =	simm.s32 @!p2 $0x0  }
0x16: {  	s3 =	sld [smem:$0x3FDB];
	s0 =	simm.s32 @p2 $0x1  }
0x17: {  	s4 =	simm.s32 $0x1BF5;
	[smem:$0x3FB4] =	sst s0  }
0x18: {  	s0 =	sld [smem:$0x3F97];
	_ =	swait.ge [sflag:s4], $0x0  }
0x19: {  	s7 =	sld [smem:$0x3F98]  }
0x1a: {  	s8 =	sadd.s32 $0xFFFFE003, lr  }
0x1b: {  	s9 =	sadd.s32 $0xFFFFFEF7, lr;
	s5 =	simm.s32 $0xFFFFFFFF;
	p2 =	slt.u32 s8, $0xFFFFF086  }
0x1c: {  	p1 =	slt.u32 s9, $0xF7A;
	s5 =	simm.s32 @!p2 $0x0  }
0x1d: {  	s5 =	simm.s32 @p1 $0x1;
	p0 =	seq.s32 s7, s2  }
0x1e: {  	s7 =	smul.u32 @!p0 $0xF7A, s2;
	p2 =	seq.s32 @!p0 s5, $0x0  }
0x1f: {  	s9 =	smul.u32 $0xF7A, s1;
	s8 =	simm.s32 @!p0 $0x1BF5;
	p2 =	por !p2, p0  }
0x20: {  	[sflag:s8] =	ssyncset.s32 @!p0 $0xFFFFF086;
	s6 =	sadd.s32 @!p0 s3, s7;
	s7 =	simm.s32 @!p0 $0x108  }
0x21: {  	s3 =	sadd.s32 s3, s9;
	s6 =	sadd.s32 @!p0 $0x88, s6;
	s7 =	simm.s32 @p2 $0x1082  }
0x22: {  	[simem:s7], [sflag:s8] =	dma.local @!p0 [hbm:s6], $0xF7A  }
0x23: {  	s9 =	sor.u32 $0xD0000000, s2;
	s6 =	simm.s32 $0x108;
	_ =	swait.ge @!p0 [sflag:s8], $0x0  }
0x24: {  	s3 =	sadd.s32 $0x88, s3;
	s6 =	simm.s32 @!p1 $0x1082;
	[sflag:s4] =	ssyncset.s32 $0xFFFFF086  }
0x25: {  	[simem:s6], [sflag:s4] =	dma.local [hbm:s3], $0xF7A  }
0x26: {  	[smem:$0x3F98] =	sst s1;
	(tag) =	ssettag s2;
	_ =	strace s9  }
0x27: {  	s1 =	sld [smem:$0x3FA8]  }
0x28: {  	s2 =	sld [smem:$0x3FA9]  }
0x29: {  	s4 =	sld [smem:$0x3FAB]  }
0x2a: {  	p0 =	seq.s32 s5, $0x0;
	s5 =	sld [smem:$0x3FAC]  }
0x2b: {  	s6 =	sld [smem:$0x3FAD]  }
0x2c: {  	s7 =	sld [smem:$0x3FAE]  }
0x2d: {  	s3 =	simm.s32 $0x108;
	s8 =	sld [smem:$0x3FAF]  }
0x2e: {  	s3 =	simm.s32 @!p0 $0x1082;
	s9 =	sld [smem:$0x3FB0]  }
0x2f: {  	lr =	sadd.s32 s0, s3;
	s0 =	sld [smem:$0x3FA7]  }
0x30: {  	s3 =	sld [smem:$0x3FAA]  }
0x31: {  	[smem:$0x3FB3] =	sst s10  }
0x32: {  	s10 =	sld [smem:$0x3FB1];
	_ =	sdelay $0x3  }
0x33: {  	p0 =	seq.s32 s10, $0x1;
	s10 =	sld [smem:$0x3FB3];
	_ =	sdelay $0x3  }
0x34: {  	[smem:$0x3FB3] =	sst s10  }
0x35: {  	s10 =	sld [smem:$0x3FB2];
	_ =	sdelay $0x3  }
0x36: {  	p1 =	seq.s32 s10, $0x1;
	s10 =	sld [smem:$0x3FB3];
	_ =	sdelay $0x3  }
0x37: {  	[smem:$0x3FB3] =	sst s10  }
0x38: {  	s10 =	sld [smem:$0x3FB4]  }
0x39: {  	_ = 	snop;
	(pc) =	sbr.ind lr, $3  }
0x3a: {  	_ = 	snop  }
0x3b: {  	_ = 	snop  }
0x3c: {  	p2 =	seq.s32 s10, $0x1;
	s10 =	sld [smem:$0x3FB3]  }
0x3d: {  	_ =	shalt  }
0x3e: {  	_ =	shalt  }
0x3f: {  	_ =	shalt  }
0x40: {  	_ =	shalt  }
0x41: {  	_ =	shalt  }
0x42: {  	_ =	shalt  }
0x43: {  	_ =	shalt  }
0x44: {  	_ =	shalt  }
0x45: {  	_ =	shalt  }
0x46: {  	_ =	shalt  }
0x47: {  	_ =	shalt  }
0x48: {  	_ =	shalt  }
0x49: {  	_ =	shalt  }
0x4a: {  	_ =	shalt  }
0x4b: {  	_ =	shalt  }
0x4c: {  	_ =	shalt  }
0x4d: {  	_ =	shalt  }
0x4e: {  	_ =	shalt  }
0x4f: {  	_ =	shalt  }
0x50: {  	_ =	shalt  }
0x51: {  	_ =	shalt  }
0x52: {  	_ =	shalt  }
0x53: {  	_ =	shalt  }
0x54: {  	_ =	shalt  }
0x55: {  	_ =	shalt  }
0x56: {  	_ =	shalt  }
0x57: {  	_ =	shalt  }
0x58: {  	_ =	shalt  }
0x59: {  	_ =	shalt  }
0x5a: {  	_ =	shalt  }
0x5b: {  	_ =	shalt  }
0x5c: {  	_ =	shalt  }
0x5d: {  	_ =	shalt  }
0x5e: {  	_ =	shalt  }
0x5f: {  	_ =	shalt  }
0x60: {  	_ =	shalt  }
0x61: {  	_ =	shalt  }
0x62: {  	_ =	shalt  }
0x63: {  	_ =	shalt  }
0x64: {  	_ =	shalt  }
0x65: {  	_ =	shalt  }
0x66: {  	_ =	shalt  }
0x67: {  	_ =	shalt  }
0x68: {  	_ =	shalt  }
0x69: {  	_ =	shalt  }
0x6a: {  	_ =	shalt  }
0x6b: {  	_ =	shalt  }
0x6c: {  	_ =	shalt  }
0x6d: {  	_ =	shalt  }
0x6e: {  	_ =	shalt  }
0x6f: {  	_ =	shalt  }
0x70: {  	_ =	shalt  }
0x71: {  	_ =	shalt  }
0x72: {  	_ =	shalt  }
0x73: {  	_ =	shalt  }
0x74: {  	_ =	shalt  }
0x75: {  	_ =	shalt  }
0x76: {  	_ =	shalt  }
0x77: {  	_ =	shalt  }
0x78: {  	_ =	shalt  }
0x79: {  	_ =	shalt  }
0x7a: {  	_ =	shalt  }
0x7b: {  	_ =	shalt  }
0x7c: {  	_ =	shalt  }
0x7d: {  	_ =	shalt  }
0x7e: {  	_ =	shalt  }
0x7f: {  	_ =	shalt  }
0x80: {  	_ =	shalt  }
0x81: {  	_ =	shalt  }
0x82: {  	_ =	shalt  }
0x83: {  	_ =	shalt  }
0x84: {  	_ =	shalt  }
0x85: {  	_ =	shalt  }
0x86: {  	_ =	shalt  }
0x87: {  	_ =	shalt  }
.Lfunc_end0:
.L_simem_size_0:
called_computation_lowered:
.L_overlay_start_0:
0x88: {  	s2 =	sld [smem:$0x3FD9]  }
0x89: {  	s3 =	sld [smem:$0x3FFE];
	_ =	sdelay $0x1  }
0x8a: {  	s1 =	srdreg.scid  }
0x8b: {  	s0 =	sand.u32 $0x1, s1  }
0x8c: {  	s17 =	sshll.u32 s0, $0xA;
	s2 =	sadd.s32 s3, s2  }
0x8d: {  	s2 =	sadd.s32 s2, s17  }
0x8e: {  	[smem:$0x3FBF] =	sst s2  }
0x8f: {  	_ = 	snop  }
0x90: {  	s2 =	sld [smem:$0x3FC9]  }
0x91: {  	s18 =	sld [smem:$0x3FD0];
	(tm) =	ssettm $0x1  }
0x92: {  	s4 =	sld [smem:$0x3FFB];
	_ =	sdelay $0x3  }
0x93: {  	_ =	strace s4  }
0x94: {  	s4 =	sld [smem:$0x3FFC];
	_ =	sdelay $0x3  }
0x95: {  	_ =	strace s4  }
0x96: {  	s4 =	sld [smem:$0x3FFD];
	_ =	sdelay $0x3  }
0x97: {  	_ =	strace s4  }
0x98: {  	_ =	strace $0x8FFFFFFF  }
0x99: {  	s19 =	sld [smem:$0x3FDB];
	_ =	sdelay $0x1  }
0x9a: {  	s5 =	simm.s32 $_scs_section_size  }
0x9b: {  	s6 =	simm.s32 $_size__tile_overlayer_lowered;
	s7 =	simm.s32 $_tile_overlayer_lowered  }
0x9c: {  	s22 =	simm.s32 $0x1BFF;
	s21 =	sshll.u32 s7, $0x1;
	s4 =	sadd.s32 s5, s19  }
0x9d: {  	s8 =	simm.s32 $0x0;
	s20 =	sshll.u32 s6, $0x1;
	s6 =	sadd.s32 s21, s4  }
0x9e: {  	[timem:s8], [sflag:s22] =	dma.local [hbm:s6], s20  }
0x9f: {  	_ =	swait.ge [sflag:s22], s20  }
0xa0: {  	s5 =	ssub.s32 $0x0, s20;
	[sflag:s22] =	ssyncset.done $0x0  }
0xa1: {  	[sflag:s22] =	ssyncadd.s32 s5;
	_ =	sdelay $0x1  }
0xa2: {  	s23 =	simm.s32 $0x1B8B  }
0xa3: {  	_ =	swait.ge [sflag:s23], $0x1  }
0xa4: {  	[sflag:s23] =	ssyncset.done $0x0  }
0xa5: {  	s25 =	simm.s32 $0x1B8E;
	s24 =	sld [smem:$0x3FFE];
	[sflag:s23] =	ssyncadd.s32 $0xFFFFFFFF  }
0xa6: {  	s26 =	simm.s32 $execute0_lowered;
	[smem:$0x3FD2] =	sst s25  }
0xa7: {  	s6 =	sshll.u32 s26, $0x1;
	_ =	strace $0x80000046;
	[dreg:$0x1] =	wrdreg $0xFFFFFFFF  }
0xa8: {  	s28 =	simm.s32 $_size_execute0_lowered;
	s4 =	sadd.s32 s4, s6;
	[dreg:$0x0] =	wrdreg $0x0  }
0xa9: {  	s6 =	sshll.u32 s28, $0x1;
	[dreg:$0x2] =	wrdreg s4  }
0xaa: {  	[dreg:$0x3] =	wrdreg s6  }
0xab: {  	[dreg:$0x4] =	wrdreg $0xC0  }
0xac: {  	_ =	task [dreg:s8], $0x5FFFF  }
0xad: {  	[dreg:$0x1] =	wrdreg $0xFFFFFFFF  }
0xae: {  	[dreg:$0x0] =	wrdreg $0x60  }
0xaf: {  	[dreg:$0x2] =	wrdreg s2  }
0xb0: {  	[dreg:$0x3] =	wrdreg s18  }
0xb1: {  	[dreg:$0x4] =	wrdreg s24  }
0xb2: {  	[dreg:$0x5] =	wrdreg $0x93400  }
0xb3: {  	[dreg:$0x6] =	wrdreg $0x1CF400  }
0xb4: {  	[dreg:$0x7] =	wrdreg $0x9  }
0xb5: {  	_ =	task.clear_ibuf [dreg:s8], $0x8FFFF;
	_ =	strace $0x90000046  }
0xb6: {  	s29 =	simm.s32 $0x9;
	_ =	strace $0x80000048  }
0xb7: {  	_ =	swait.ge [sflag:s29], $0x1  }
0xb8: {  	[sflag:s29] =	ssyncadd.s32 $0xFFFFFFFF  }
0xb9: {  	_ =	strace $0x90000048  }
0xba: {  	_ =	sfence  }
0xbb: {  	s30 =	sld [smem:$0x0];
	_ =	sdelay $0x2  }
0xbc: {  	s31 =	sshll.u32 s1, $0xD;
	s1 =	sshrl.u32 s1, $0x2  }
0xbd: {  	s3 =	sand.u32 $0x4000, s31;
	s1 =	sadd.s32 s1, s30  }
0xbe: {  	s0 =	sor.u32 s3, s0;
	s1 =	sshll.u32 s1, $0x11  }
0xbf: {  	s0 =	sor.u32 s1, s0  }
0xc0: {  	s0 =	sadd.s32 $0x8F2B, s0  }
0xc1: {  	[sflag:s0] =	ssyncadd.remote.s32 $0x1  }
0xc2: {  	_ =	sfence.sel $0xFFFF  }
0xc3: {  	[dreg:$0x0] =	wrdreg $0xFFFFFFFF;
	(pc) =	sbr.abs _section_cstart, $3  }
0xc4: {  	[dreg:$0x1] =	wrdreg $0xFFFFFFFF  }
0xc5: {  	_ =	task.clear_ibuf [dreg:s8], $0x2FFFF;
	_ =	strace $0x9FFFFFFF  }
0xc6: {  	(tm) =	ssettm $0x7FFFFFFF  }
0xc7: {  	_ =	shalt  }
tec
execute0_lowered:
.L_overlay_start_1:
0x0: {  	(tag) =	ssettag $0x1  }
0x1: {  	s0 =	rddreg [dreg:$0x0]  }
0x2: {  	s1 =	rddreg [dreg:$0x1]  }
0x3: {  	s2 =	srdreg.scid;
	s8 =	rddreg [dreg:$0x2]  }
0x4: {  	s3 =	rddreg [dreg:$0x3];
	s7 =	stileid.u32  }
0x5: {  	s4 =	rddreg [dreg:$0x4];
	s18 =	simm.s32 $0x9300;
	s28 =	simm.s32 $0x2  }
0x6: {  	s29 =	simm.s32 $0x2740;
	s30 =	simm.s32 $0x4E80;
	s10 =	smul.u32 $0x13C00, s7  }
0x7: {  	s31 =	simm.s32 $0x4EC0;
	s2 =	sand.u32 $0x1, s2;
	s11 =	smul.u32 $0x2780, s7  }
0x8: {  	s23 =	sadd.s32 $0x1200, s8;
	s24 =	sadd.s32 $0xB200, s8;
	s13 =	smul.u32 $0x13C000, s2  }
0x9: {  	s26 =	sshll.u32 s7, $0x6;
	s5 =	sshll.u32 s2, $0x4;
	s15 =	smul.u32 $0x27800, s2  }
0xa: {  	s2 =	ssub.s32 $0x2, s2;
	s19 =	sor.u32 $0x1C04, s26;
	s26 =	simm.s32 $0x3  }
0xb: {  	s6 =	sor.u32 s7, s5;
	s5 =	simm.s32 $0x0;
	s21 =	sshrl.u32 s10, $0x3  }
0xc: {  	s22 =	sshrl.u32 s11, $0x3;
	s17 =	sshrl.u32 s2, $0x1;
	s25 =	sadd.s32 s10, s3  }
0xd: {  	s9 =	smul.u32 $0x4F0, s6;
	[smem:$0x7FF] =	sst s5;
	s14 =	sadd.s32 s21, s8  }
0xe: {  	s16 =	sadd.s32 s22, s8;
	s13 =	sadd.s32 s10, s13;
	s15 =	sadd.s32 s11, s15  }
0xf: {  	s2 =	ssub.s32 s2, s17;
	s21 =	sadd.s32 s11, s4;
	s17 =	simm.s32 $0x8F00  }
0x10: {  	s20 =	sshrl.u32 s25, $0x3;
	_ =	strace $0x80000047;
	[dreg:$0x6] =	wrdreg s23  }
0x11: {  	s22 =	simm.s32 $0x40;
	s25 =	simm.s32 $0x1;
	[dreg:$0x7] =	wrdreg s24  }
0x12: {  	s13 =	sshrl.u32 s13, $0x3;
	s15 =	sshrl.u32 s15, $0x3;
	s10 =	sadd.s32 $0x10400, s14  }
0x13: {  	s11 =	sadd.s32 $0xB400, s16;
	s14 =	smax.u32 s2, $0x1;
	s21 =	sshrl.u32 s21, $0x3  }
0x14: {  	s23 =	simm.s32 $0x4F00;
	s24 =	simm.s32 $0x6F00;
	s2 =	simm.s32 $0x0  }
0x15: {  	s12 =	sadd.s32 s9, s8;
	s13 =	sadd.s32 s13, s8;
	s1 =	sadd.s32 s1, s9  }
0x16: {  	s15 =	sadd.s32 s15, s8;
	[dreg:$0x8] =	wrdreg s1;
	s9 =	sadd.s32 $0x1400, s12  }
0x17: {  	s12 =	sadd.s32 $0x41A00, s13;
	s13 =	sadd.s32 $0x37C00, s15;
	s15 =	simm.s32 $0x4  }
.LBB2_1:
0x18: {  	s1 =	rddreg [dreg:$0x8]  }
0x19: {  	[tilespmem:s5], [sflag:$0x4] =	stream.linear.gather [hbm4b:s1+s5], $0x2780, $0x38;
	[tilespmem:$0x1F6C0] =	vst v63  }
0x1a: {  	_ =	swait.ge [sflag:s15], $0x2780  }
0x1b: {  	[sflag:s15] =	ssyncset.done $0x0  }
0x1c: {  	s7 =	simm.s32 $0x2780;
	[sflag:s15] =	ssyncadd.s32 $0xFFFFD880  }
0x1d: {  	[tilespmem:s7], [sflag:$0x4] =	stream.linear.gather [hbm4b:s9+s5], $0x2780, $0x38;
	[tilespmem:$0x1F6C0] =	vst v63  }
0x1e: {  	_ =	swait.ge [sflag:s15], $0x2780  }
0x1f: {  	[sflag:s15] =	ssyncset.done $0x0  }
0x20: {  	s8 =	rddreg [dreg:$0x6];
	[sflag:s15] =	ssyncadd.s32 $0xFFFFD880  }
0x21: {  	[tilespmem:s17], [sflag:$0x4] =	stream.linear.gather [hbm4b:s8+s5], $0x400, $0x38;
	[tilespmem:$0x1F6C0] =	vst v63  }
0x22: {  	_ =	swait.ge [sflag:s15], $0x400  }
0x23: {  	[sflag:s15] =	ssyncset.done $0x0  }
0x24: {  	s16 =	rddreg [dreg:$0x7];
	[sflag:s15] =	ssyncadd.s32 $0xFFFFFC00  }
0x25: {  	[tilespmem:s18], [sflag:$0x4] =	stream.linear.gather [hbm4b:s16+s5], $0x40, $0x38;
	[tilespmem:$0x1F6C0] =	vst v63  }
0x26: {  	_ =	swait.ge [sflag:s15], $0x40  }
0x27: {  	[sflag:s15] =	ssyncset.done $0x0  }
0x28: {  	[sflag:s15] =	ssyncadd.s32 $0xFFFFFFC0  }
0x29: {  	[spmem:s20], [sflag:s19] =	dma.local [hbm:s10], $0x2780  }
0x2a: {  	_ =	swait.ge [sflag:s15], $0x2780  }
0x2b: {  	[sflag:s15] =	ssyncset.done $0x0  }
0x2c: {  	[sflag:s15] =	ssyncadd.s32 $0xFFFFD880  }
0x2d: {  	[spmem:s21], [sflag:s19] =	dma.local [hbm:s11], $0x4F0  }
0x2e: {  	_ =	swait.ge [sflag:s15], $0x4F0  }
0x2f: {  	[sflag:s15] =	ssyncset.done $0x0  }
0x30: {  	[sflag:s15] =	ssyncadd.s32 $0xFFFFFB10  }
0x31: {  	[bflag:$0x0] =	sbarrier.arrive $0xFFFF  }
0x32: {  	[tilespmem:s23], [sflag:$0x1] =	stream.indirect.gather [hbm4b:s0+s22], $0x80, s5, s22, $0xb8;
	[tilespmem:$0x1F6C0] =	vst v63  }
0x33: {  	_ = 	snop  }
0x34: {  	[spmem:s4] =	stream.indirect.scatter.add.f32 [tilespmem:s17], [sflag:$0x3], $0x10, s18, s22, $0xb8;
	[tilespmem:$0x1F6C0] =	vst v63  }
0x35: {  	_ = 	snop  }
0x36: {  	[spmem:s4] =	stream.indirect.scatter.add.f32 [tilespmem:s17], [sflag:$0x3], $0x10, s18, s22, $0xb8;
	[tilespmem:$0x1F6C0] =	vst v63  }
0x37: {  	s6 =	simm.s32 $0x40  }
0x38: {  	[tilespmem:s24], [sflag:$0x2] =	stream.indirect.gather [hbm4b:s0+s22], $0x80, s6, s22, $0xb8;
	[tilespmem:$0x1F6C0] =	vst v63  }
0x39: {  	s7 =	simm.s32 $0x2780  }
0x3a: {  	[spmem:s4] =	stream.indirect.scatter.add.f32 [tilespmem:s17], [sflag:$0x3], $0x10, s7, s22, $0xb8;
	[tilespmem:$0x1F6C0] =	vst v63  }
0x3b: {  	_ =	swait.ge [sflag:s25], $0x2000  }
0x3c: {  	[sflag:s25] =	ssyncset.done $0x0  }
0x3d: {  	[sflag:s25] =	ssyncadd.s32 $0xFFFFE000  }
0x3e: {  	[spmem:s3] =	stream.indirect.scatter.add.f32 [tilespmem:s23], [sflag:$0x4], $0x80, s7, s22, $0xb8;
	[tilespmem:$0x1F6C0] =	vst v63  }
0x3f: {  	_ =	swait.ge [sflag:s15], $0x2000  }
0x40: {  	[sflag:s15] =	ssyncset.done $0x0  }
0x41: {  	s8 =	simm.s32 $0x80;
	[sflag:s15] =	ssyncadd.s32 $0xFFFFE000  }
0x42: {  	[tilespmem:s23], [sflag:$0x1] =	stream.indirect.gather [hbm4b:s0+s22], $0x80, s8, s22, $0xb8;
	[tilespmem:$0x1F6C0] =	vst v63  }
0x43: {  	s16 =	simm.s32 $0x27C0  }
0x44: {  	[spmem:s4] =	stream.indirect.scatter.add.f32 [tilespmem:s17], [sflag:$0x3], $0x10, s16, s22, $0xb8;
	[tilespmem:$0x1F6C0] =	vst v63  }
0x45: {  	_ =	swait.ge [sflag:s26], $0x400  }
0x46: {  	[sflag:s26] =	ssyncset.done $0x0  }
0x47: {  	[sflag:s26] =	ssyncadd.s32 $0xFFFFFC00  }
0x48: {  	_ =	swait.ge [sflag:s28], $0x2000  }
0x49: {  	[sflag:s28] =	ssyncset.done $0x0  }
0x4a: {  	[sflag:s28] =	ssyncadd.s32 $0xFFFFE000  }
0x4b: {  	[spmem:s3] =	stream.indirect.scatter.add.f32 [tilespmem:s24], [sflag:$0x4], $0x80, s16, s22, $0xb8;
	[tilespmem:$0x1F6C0] =	vst v63  }
0x4c: {  	_ =	swait.ge [sflag:s15], $0x2000  }
0x4d: {  	[sflag:s15] =	ssyncset.done $0x0  }
0x4e: {  	[sflag:s15] =	ssyncadd.s32 $0xFFFFE000  }
0x4f: {  	_ =	swait.ge [sflag:s26], $0x400  }
0x50: {  	s1 =	simm.s32 $0x80;
	s16 =	simm.s32 $0x400;
	[sflag:s26] =	ssyncset.done $0x0  }
.LBB2_2:
0x51: {  	s6 =	sadd.s32 $0x40, s1  }
0x52: {  	[sflag:s26] =	ssyncadd.s32 $0xFFFFFC00;
	s7 =	smov.u32 s16;
	s8 =	sadd.s32 $0x200, s16  }
0x53: {  	[tilespmem:s24], [sflag:$0x2] =	stream.indirect.gather [hbm4b:s0+s22], $0x80, s6, s22, $0xb8;
	[tilespmem:$0x1F6C0] =	vst v63  }
0x54: {  	p0 =	sne.s32 s16, $0x9A00;
	s6 =	sadd.s32 $0x2780, s1  }
0x55: {  	[spmem:s4] =	stream.indirect.scatter.add.f32 [tilespmem:s17], [sflag:$0x3], $0x10, s6, s22, $0xb8;
	[tilespmem:$0x1F6C0] =	vst v63  }
0x56: {  	_ =	swait.ge [sflag:s25], $0x2000  }
0x57: {  	[sflag:s25] =	ssyncset.done $0x0  }
0x58: {  	[sflag:s25] =	ssyncadd.s32 $0xFFFFE000  }
0x59: {  	[spmem:s3] =	stream.indirect.scatter.add.f32 [tilespmem:s23], [sflag:$0x4], $0x80, s6, s22, $0xb8;
	[tilespmem:$0x1F6C0] =	vst v63  }
0x5a: {  	_ =	swait.ge [sflag:s15], $0x2000  }
0x5b: {  	[sflag:s15] =	ssyncset.done $0x0  }
0x5c: {  	s6 =	sadd.s32 $0x80, s1;
	[sflag:s15] =	ssyncadd.s32 $0xFFFFE000  }
0x5d: {  	[tilespmem:s23], [sflag:$0x1] =	stream.indirect.gather [hbm4b:s0+s22], $0x80, s6, s22, $0xb8;
	[tilespmem:$0x1F6C0] =	vst v63  }
0x5e: {  	s1 =	sadd.s32 $0x27C0, s1  }
0x5f: {  	[spmem:s4] =	stream.indirect.scatter.add.f32 [tilespmem:s17], [sflag:$0x3], $0x10, s1, s22, $0xb8;
	[tilespmem:$0x1F6C0] =	vst v63  }
0x60: {  	_ =	swait.ge [sflag:s26], $0x400  }
0x61: {  	[sflag:s26] =	ssyncset.done $0x0  }
0x62: {  	[sflag:s26] =	ssyncadd.s32 $0xFFFFFC00  }
0x63: {  	_ =	swait.ge [sflag:s28], $0x2000  }
0x64: {  	[sflag:s28] =	ssyncset.done $0x0  }
0x65: {  	[sflag:s28] =	ssyncadd.s32 $0xFFFFE000  }
0x66: {  	[spmem:s3] =	stream.indirect.scatter.add.f32 [tilespmem:s24], [sflag:$0x4], $0x80, s1, s22, $0xb8;
	[tilespmem:$0x1F6C0] =	vst v63  }
.Ltmp0:
0x67: {  	_ =	swait.ge [sflag:s15], $0x2000;
	(pc) =	sbr.rel @p0 .LBB2_2-.Ltmp0, $4  }
0x68: {  	[sflag:s15] =	ssyncset.done $0x0  }
0x69: {  	[sflag:s15] =	ssyncadd.s32 $0xFFFFE000  }
0x6a: {  	_ =	swait.ge [sflag:s26], $0x400  }
0x6b: {  	s16 =	smov.u32 s8;
	s1 =	sshra.s32 s7, $0x2;
	[sflag:s26] =	ssyncset.done $0x0  }
0x6c: {  	s6 =	sadd.s32 $0x40, s1;
	[sflag:s26] =	ssyncadd.s32 $0xFFFFFC00  }
0x6d: {  	[tilespmem:s24], [sflag:$0x2] =	stream.indirect.gather [hbm4b:s0+s22], $0x80, s6, s22, $0xb8;
	[tilespmem:$0x1F6C0] =	vst v63  }
0x6e: {  	s7 =	sadd.s32 $0x2780, s1  }
0x6f: {  	[spmem:s4] =	stream.indirect.scatter.add.f32 [tilespmem:s17], [sflag:$0x3], $0x10, s7, s22, $0xb8;
	[tilespmem:$0x1F6C0] =	vst v63  }
0x70: {  	_ =	swait.ge [sflag:s25], $0x2000  }
0x71: {  	[sflag:s25] =	ssyncset.done $0x0  }
0x72: {  	[sflag:s25] =	ssyncadd.s32 $0xFFFFE000  }
0x73: {  	[spmem:s3] =	stream.indirect.scatter.add.f32 [tilespmem:s23], [sflag:$0x4], $0x80, s7, s22, $0xb8;
	[tilespmem:$0x1F6C0] =	vst v63  }
0x74: {  	_ =	swait.ge [sflag:s15], $0x2000  }
0x75: {  	[sflag:s15] =	ssyncset.done $0x0  }
0x76: {  	s8 =	sadd.s32 $0x80, s1;
	[sflag:s15] =	ssyncadd.s32 $0xFFFFE000  }
0x77: {  	[tilespmem:s23], [sflag:$0x1] =	stream.indirect.gather [hbm4b:s0+s22], $0x80, s8, s22, $0xb8;
	[tilespmem:$0x1F6C0] =	vst v63  }
0x78: {  	s16 =	sadd.s32 $0x27C0, s1  }
0x79: {  	[spmem:s4] =	stream.indirect.scatter.add.f32 [tilespmem:s17], [sflag:$0x3], $0x10, s16, s22, $0xb8;
	[tilespmem:$0x1F6C0] =	vst v63  }
0x7a: {  	_ =	swait.ge [sflag:s26], $0x400  }
0x7b: {  	[sflag:s26] =	ssyncset.done $0x0  }
0x7c: {  	[sflag:s26] =	ssyncadd.s32 $0xFFFFFC00  }
0x7d: {  	_ =	swait.ge [sflag:s28], $0x2000  }
0x7e: {  	[sflag:s28] =	ssyncset.done $0x0  }
0x7f: {  	[sflag:s28] =	ssyncadd.s32 $0xFFFFE000  }
0x80: {  	[spmem:s3] =	stream.indirect.scatter.add.f32 [tilespmem:s24], [sflag:$0x4], $0x80, s16, s22, $0xb8;
	[tilespmem:$0x1F6C0] =	vst v63  }
0x81: {  	_ =	swait.ge [sflag:s15], $0x2000  }
0x82: {  	[sflag:s15] =	ssyncset.done $0x0  }
0x83: {  	[sflag:s15] =	ssyncadd.s32 $0xFFFFE000  }
0x84: {  	_ =	swait.ge [sflag:s26], $0x400  }
0x85: {  	[sflag:s26] =	ssyncset.done $0x0  }
0x86: {  	[sflag:s26] =	ssyncadd.s32 $0xFFFFFC00  }
0x87: {  	[tilespmem:s24], [sflag:$0x2] =	stream.indirect.gather [hbm4b:s0+s22], $0x80, s29, s22, $0xb8;
	[tilespmem:$0x1F6C0] =	vst v63  }
0x88: {  	_ = 	snop  }
0x89: {  	[spmem:s4] =	stream.indirect.scatter.add.f32 [tilespmem:s17], [sflag:$0x3], $0x10, s30, s22, $0xb8;
	[tilespmem:$0x1F6C0] =	vst v63  }
0x8a: {  	_ =	swait.ge [sflag:s25], $0x2000  }
0x8b: {  	[sflag:s25] =	ssyncset.done $0x0  }
0x8c: {  	[sflag:s25] =	ssyncadd.s32 $0xFFFFE000  }
0x8d: {  	[spmem:s3] =	stream.indirect.scatter.add.f32 [tilespmem:s23], [sflag:$0x4], $0x80, s30, s22, $0xb8;
	[tilespmem:$0x1F6C0] =	vst v63  }
0x8e: {  	_ =	swait.ge [sflag:s15], $0x2000  }
0x8f: {  	[sflag:s15] =	ssyncset.done $0x0  }
0x90: {  	[sflag:s15] =	ssyncadd.s32 $0xFFFFE000  }
0x91: {  	[tilespmem:s23], [sflag:$0x1] =	stream.indirect.gather [hbm4b:s0+s22], $0x80, s29, s22, $0xb8;
	[tilespmem:$0x1F6C0] =	vst v63  }
0x92: {  	_ = 	snop  }
0x93: {  	[spmem:s4] =	stream.indirect.scatter.add.f32 [tilespmem:s17], [sflag:$0x3], $0x10, s31, s22, $0xb8;
	[tilespmem:$0x1F6C0] =	vst v63  }
0x94: {  	_ =	swait.ge [sflag:s26], $0x400  }
0x95: {  	[sflag:s26] =	ssyncset.done $0x0  }
0x96: {  	[sflag:s26] =	ssyncadd.s32 $0xFFFFFC00  }
0x97: {  	_ =	swait.ge [sflag:s28], $0x2000  }
0x98: {  	[sflag:s28] =	ssyncset.done $0x0  }
0x99: {  	[sflag:s28] =	ssyncadd.s32 $0xFFFFE000  }
0x9a: {  	[spmem:s3] =	stream.indirect.scatter.add.f32 [tilespmem:s24], [sflag:$0x4], $0x80, s31, s22, $0xb8;
	[tilespmem:$0x1F6C0] =	vst v63  }
0x9b: {  	_ =	swait.ge [sflag:s15], $0x2000  }
0x9c: {  	[sflag:s15] =	ssyncset.done $0x0  }
0x9d: {  	[sflag:s15] =	ssyncadd.s32 $0xFFFFE000  }
0x9e: {  	_ =	swait.ge [sflag:s26], $0x400  }
0x9f: {  	[sflag:s26] =	ssyncset.done $0x0  }
0xa0: {  	[sflag:s26] =	ssyncadd.s32 $0xFFFFFC00  }
0xa1: {  	_ =	swait.ge [sflag:s25], $0x2000  }
0xa2: {  	[sflag:s25] =	ssyncset.done $0x0  }
0xa3: {  	[sflag:s25] =	ssyncadd.s32 $0xFFFFE000  }
0xa4: {  	_ =	swait.ge [sflag:s26], $0x400  }
0xa5: {  	[sflag:s26] =	ssyncset.done $0x0  }
0xa6: {  	[sflag:s26] =	ssyncadd.s32 $0xFFFFFC00  }
0xa7: {  	_ =	swait.ge [sflag:s26], $0x400  }
0xa8: {  	[sflag:s26] =	ssyncset.done $0x0  }
0xa9: {  	[sflag:s26] =	ssyncadd.s32 $0xFFFFFC00  }
0xaa: {  	[bflag:$0x0] =	sbarrier.arrive $0xFFFF  }
0xab: {  	[hbm:s12], [sflag:s19] =	dma.local [spmem:s20], $0x2780  }
0xac: {  	s2 =	sadd.s32 $0x1, s2;
	_ =	swait.ge [sflag:s15], $0x2780  }
0xad: {  	p0 =	sne.s32 s2, s14;
	[sflag:s15] =	ssyncset.done $0x0  }
.Ltmp1:
0xae: {  	[sflag:s15] =	ssyncadd.s32 $0xFFFFD880;
	(pc) =	sbr.rel @p0 .LBB2_1-.Ltmp1, $4  }
0xaf: {  	[hbm:s13], [sflag:s19] =	dma.local [spmem:s21], $0x4F0  }
0xb0: {  	_ =	swait.ge [sflag:s15], $0x4F0  }
0xb1: {  	[sflag:s15] =	ssyncset.done $0x0  }
0xb2: {  	[sflag:s15] =	ssyncadd.s32 $0xFFFFFB10  }
0xb3: {  	_ =	sfence.sel $0x180000  }
0xb4: {  	[bflag:$0x0] =	sbarrier.arrive $0xFFFF  }
0xb5: {  	_ =	strace $0x90000047  }
0xb6: {  	s0 =	stileid.u32;
	[bflag:$0x2] =	sbarrier.arrive $0xFFFF  }
0xb7: {  	p0 =	sne.s32 s0, $0x0;
	s0 =	rddreg [dreg:$0x5]  }
0xb8: {  	s0 =	sadd.s32 @!p0 $0x100000, s0  }
0xb9: {  	[sflag:s0] =	ssyncadd.tile.s32 @!p0 $0x1;
	_ =	shalt  }
.Lfunc_end2:
_tile_overlayer_lowered:
.L_overlay_start_2:
0xba: {  	(tag) =	ssettag $0x2  }
0xbb: {  	s0 =	rddreg [dreg:$0x0];
	s2 =	stileid.u32  }
0xbc: {  	s1 =	rddreg [dreg:$0x1];
	p0 =	sne.s32 s2, $0x0  }
0xbd: {  	s3 =	rddreg [dreg:$0x2];
	[bflag:$0x3] =	sbarrier.arrive $0xFFFF;
	s2 =	simm.s32 @!p0 $0x1C04  }
0xbe: {  	[timem:s3], [sflag:s2] =	dma.local @!p0 [hbm:s0], s1  }
0xbf: {  	s0 =	simm.s32 @!p0 $0x4  }
0xc0: {  	_ =	swait.ge @!p0 [sflag:s0], s1  }
0xc1: {  	s1 =	ssub.s32 @!p0 $0x0, s1;
	[sflag:s0] =	ssyncset.done @!p0 $0x0  }
0xc2: {  	[sflag:s0] =	ssyncadd.s32 @!p0 s1  }
0xc3: {  	[bflag:$0x3] =	sbarrier.arrive $0xFFFF  }
0xc4: {  	_ =	shalt  }

</sc_bundles>
